<compile_context>
chip_gen: v7x
topology: tpu7x:2x2x1
jax: 0.10.2.dev20260603
libtpu: 0.0.44.dev20260713+nightly
codegen_flags: <defaults>
</compile_context>

<pallas_src>
import functools
import jax
import jax.numpy as jnp
from jax import lax
from jax.experimental import pallas as pl
from jax.experimental.pallas import tpu as pltpu
from jax.experimental.pallas import tpu_sc as plsc

_N = 8192
_NC = 2
_NS = 16
_NW = _NC * _NS
_QW = _N // _NW
_L = 16
_QU = 8


def _bf16r(x):
    u = lax.bitcast_convert_type(x, jnp.uint32)
    r = (u + jnp.uint32(0x7FFF) + ((u >> 16) & jnp.uint32(1))) & jnp.uint32(0xFFFF0000)
    return lax.bitcast_convert_type(r, jnp.float32)


def _fill_prep(kx_v, ky_v, kz_v, kxr_v, kyr_v, kzr_v, ksq_v):
    def body(kb, carry):
        o = kb * _L
        kx = kx_v[pl.ds(o, _L)]
        ky = ky_v[pl.ds(o, _L)]
        kz = kz_v[pl.ds(o, _L)]
        ksq_v[pl.ds(o, _L)] = kx * kx + ky * ky + kz * kz
        kxr_v[pl.ds(o, _L)] = _bf16r(kx)
        kyr_v[pl.ds(o, _L)] = _bf16r(ky)
        kzr_v[pl.ds(o, _L)] = _bf16r(kz)
        return carry
    lax.fori_loop(0, _N // _L, body, jnp.float32(0.0))


def _direction_sum(qsq_v, qxr_v, qyr_v, qzr_v,
                   kxr_v, kyr_v, kzr_v, ksq_v, qbase):
    inf16 = jnp.full((_L,), 3.0e38, jnp.float32)

    def qgroup_body(g, total):
        qb = qbase + g * _QU
        qxv = qxr_v[pl.ds(qb, _L)]
        qyv = qyr_v[pl.ds(qb, _L)]
        qzv = qzr_v[pl.ds(qb, _L)]
        qsqv = qsq_v[pl.ds(qb, _L)]
        cxv = qxv * (-2.0)
        cyv = qyv * (-2.0)
        czv = qzv * (-2.0)
        cs = [(cxv[j], cyv[j], czv[j]) for j in range(_QU)]

        @plsc.parallel_loop(0, _N, _L, unroll=2, carry=(inf16,) * _QU)
        def mins(o, mins_c):
            kx = kxr_v[pl.ds(o, _L)]
            ky = kyr_v[pl.ds(o, _L)]
            kz = kzr_v[pl.ds(o, _L)]
            ksq = ksq_v[pl.ds(o, _L)]
            out = []
            for j in range(_QU):
                d2 = (ksq + kx * cs[j][0]) + (ky * cs[j][1] + kz * cs[j][2])
                out.append(jnp.minimum(mins_c[j], d2))
            return tuple(out)

        for j in range(_QU):
            srt, _ = plsc.sort_key_val(mins[j], mins[j])
            total = total + jnp.maximum(srt[0] + qsqv[j], 0.0)
        return total

    return lax.fori_loop(0, _QW // _QU, qgroup_body, jnp.float32(0.0))


def _chamfer_sc(gtx, gty, gtz, gnx, gny, gnz, out,
                gtx_v, gty_v, gtz_v, gnx_v, gny_v, gnz_v,
                gtxr_v, gtyr_v, gtzr_v, gnxr_v, gnyr_v, gnzr_v,
                gtsq_v, gnsq_v, res_v):
    w = lax.axis_index("s") * _NC + lax.axis_index("c")
    pltpu.sync_copy(gtx, gtx_v)
    pltpu.sync_copy(gty, gty_v)
    pltpu.sync_copy(gtz, gtz_v)
    pltpu.sync_copy(gnx, gnx_v)
    pltpu.sync_copy(gny, gny_v)
    pltpu.sync_copy(gnz, gnz_v)
    _fill_prep(gtx_v, gty_v, gtz_v, gtxr_v, gtyr_v, gtzr_v, gtsq_v)
    _fill_prep(gnx_v, gny_v, gnz_v, gnxr_v, gnyr_v, gnzr_v, gnsq_v)
    qbase = w * _QW
    s1 = _direction_sum(gtsq_v, gtxr_v, gtyr_v, gtzr_v,
                        gnxr_v, gnyr_v, gnzr_v, gnsq_v, qbase)
    s2 = _direction_sum(gnsq_v, gnxr_v, gnyr_v, gnzr_v,
                        gtxr_v, gtyr_v, gtzr_v, gtsq_v, qbase)
    res_v[...] = jnp.full((_L,), (s1 + s2) * (1.0 / _L), jnp.float32)
    pltpu.sync_copy(res_v, out.at[pl.ds(w * _L, _L)])


_sc_call = functools.partial(
    pl.kernel,
    out_type=jax.ShapeDtypeStruct((_NW * _L,), jnp.float32),
    mesh=plsc.VectorSubcoreMesh(core_axis_name="c", subcore_axis_name="s"),
    scratch_types=[pltpu.VMEM((_N,), jnp.float32)] * 14
    + [pltpu.VMEM((_L,), jnp.float32)],
    compiler_params=pltpu.CompilerParams(needs_layout_passes=False),
)(_chamfer_sc)


def kernel(gt_points, gen_points):
    partial = _sc_call(
        gt_points[:, 0], gt_points[:, 1], gt_points[:, 2],
        gen_points[:, 0], gen_points[:, 1], gen_points[:, 2],
    )
    return jnp.sum(partial) * (1.0 / _N)

# --- scband reference (transcript-rebuilt; emitter-appended) ---
"""Pipeline reference for scband-chamfer-distance-43095701848170 (READ-ONLY COPY).

The authoritative reference and input builder live on the scoring server;
editing this copy changes nothing except your own understanding.
"""

import jax, jax.numpy as jnp
import numpy as np


def setup_inputs(seed: int = 0) -> dict:
    key = jax.random.key(seed)
    k1, k2 = jax.random.split(key)
    gt_points = jax.random.normal(k1, (8192, 3), dtype=jnp.float32)
    gen_points = jax.random.normal(k2, (8192, 3), dtype=jnp.float32)
    return {"gt_points": gt_points, "gen_points": gen_points}


def _chamfer(gt, gen):
    # squared Euclidean distance matrix via ||a||^2 + ||b||^2 - 2 a.b
    sq_gt = jnp.sum(gt * gt, axis=1)
    sq_gen = jnp.sum(gen * gen, axis=1)
    d2 = sq_gt[:, None] + sq_gen[None, :] - 2.0 * (gt @ gen.T)
    d2 = jnp.maximum(d2, 0.0)
    # KDTree.query returns Euclidean distance to nearest neighbor; the torch
    # module squares it and takes the mean, which equals mean of min squared dist.
    gt_to_gen = jnp.mean(jnp.min(d2, axis=1))
    gen_to_gt = jnp.mean(jnp.min(d2, axis=0))
    return gt_to_gen + gen_to_gt


def reference(gt_points, gen_points):
    return _chamfer(gt_points, gen_points)

if __name__ == "__main__":
    import jax
    _d = setup_inputs()
    print(jax.jit(kernel)(*tuple(_d.values())))

</pallas_src>

<mosaic_0001>
#map = affine_map<(d0, d1) -> (0)>
module attributes {stable_mosaic.version = 14 : i64} {
  func.func @_chamfer_sc(%arg0: i32, %arg1: i32, %arg2: memref<8192xf32, #tpu.memory_space<hbm>>, %arg3: memref<8192xf32, #tpu.memory_space<hbm>>, %arg4: memref<8192xf32, #tpu.memory_space<hbm>>, %arg5: memref<8192xf32, #tpu.memory_space<hbm>>, %arg6: memref<8192xf32, #tpu.memory_space<hbm>>, %arg7: memref<8192xf32, #tpu.memory_space<hbm>>, %arg8: memref<512xf32, #tpu.memory_space<hbm>>, %arg9: memref<8192xf32, #tpu.memory_space<vmem>>, %arg10: memref<8192xf32, #tpu.memory_space<vmem>>, %arg11: memref<8192xf32, #tpu.memory_space<vmem>>, %arg12: memref<8192xf32, #tpu.memory_space<vmem>>, %arg13: memref<8192xf32, #tpu.memory_space<vmem>>, %arg14: memref<8192xf32, #tpu.memory_space<vmem>>, %arg15: memref<8192xf32, #tpu.memory_space<vmem>>, %arg16: memref<8192xf32, #tpu.memory_space<vmem>>, %arg17: memref<8192xf32, #tpu.memory_space<vmem>>, %arg18: memref<8192xf32, #tpu.memory_space<vmem>>, %arg19: memref<8192xf32, #tpu.memory_space<vmem>>, %arg20: memref<8192xf32, #tpu.memory_space<vmem>>, %arg21: memref<8192xf32, #tpu.memory_space<vmem>>, %arg22: memref<8192xf32, #tpu.memory_space<vmem>>, %arg23: memref<16xf32, #tpu.memory_space<vmem>>) attributes {dimension_semantics = [#tpu.dimension_semantics<core_parallel>, #tpu.dimension_semantics<subcore_parallel>], iteration_bounds = array<i64: 2, 16>, scalar_prefetch = 0 : i64, scratch_operands = 15 : i64, tpu.core_type = #tpu.core_type<sc_vector_subcore>, window_params = [{transform_indices = #map}, {transform_indices = #map}, {transform_indices = #map}, {transform_indices = #map}, {transform_indices = #map}, {transform_indices = #map}, {transform_indices = #map}]} {
    %mul3A = arith.constant 2 : i32
    %mul3A_0 = arith.muli %arg1, %mul3A : i32
    %add3A = arith.addi %mul3A_0, %arg0 : i32
    "tpu.region"() ({
      %run_scoped3A = tpu.sem_alloc : memref<!tpu.dma_semaphore, #tpu.memory_space<semaphore_mem>>
      tpu.enqueue_dma source(%arg2 : memref<8192xf32, #tpu.memory_space<hbm>>) target(%arg9 : memref<8192xf32, #tpu.memory_space<vmem>>) target_semaphore(%run_scoped3A : memref<!tpu.dma_semaphore, #tpu.memory_space<semaphore_mem>>)
      tpu.wait_dma2 semaphore(%run_scoped3A : memref<!tpu.dma_semaphore, #tpu.memory_space<semaphore_mem>>) src(%arg2 : memref<8192xf32, #tpu.memory_space<hbm>>) dst(%arg9 : memref<8192xf32, #tpu.memory_space<vmem>>)
      tpu.yield
    }) : () -> ()
    "tpu.region"() ({
      %run_scoped3A = tpu.sem_alloc : memref<!tpu.dma_semaphore, #tpu.memory_space<semaphore_mem>>
      tpu.enqueue_dma source(%arg3 : memref<8192xf32, #tpu.memory_space<hbm>>) target(%arg10 : memref<8192xf32, #tpu.memory_space<vmem>>) target_semaphore(%run_scoped3A : memref<!tpu.dma_semaphore, #tpu.memory_space<semaphore_mem>>)
      tpu.wait_dma2 semaphore(%run_scoped3A : memref<!tpu.dma_semaphore, #tpu.memory_space<semaphore_mem>>) src(%arg3 : memref<8192xf32, #tpu.memory_space<hbm>>) dst(%arg10 : memref<8192xf32, #tpu.memory_space<vmem>>)
      tpu.yield
    }) : () -> ()
    "tpu.region"() ({
      %run_scoped3A = tpu.sem_alloc : memref<!tpu.dma_semaphore, #tpu.memory_space<semaphore_mem>>
      tpu.enqueue_dma source(%arg4 : memref<8192xf32, #tpu.memory_space<hbm>>) target(%arg11 : memref<8192xf32, #tpu.memory_space<vmem>>) target_semaphore(%run_scoped3A : memref<!tpu.dma_semaphore, #tpu.memory_space<semaphore_mem>>)
      tpu.wait_dma2 semaphore(%run_scoped3A : memref<!tpu.dma_semaphore, #tpu.memory_space<semaphore_mem>>) src(%arg4 : memref<8192xf32, #tpu.memory_space<hbm>>) dst(%arg11 : memref<8192xf32, #tpu.memory_space<vmem>>)
      tpu.yield
    }) : () -> ()
    "tpu.region"() ({
      %run_scoped3A = tpu.sem_alloc : memref<!tpu.dma_semaphore, #tpu.memory_space<semaphore_mem>>
      tpu.enqueue_dma source(%arg5 : memref<8192xf32, #tpu.memory_space<hbm>>) target(%arg12 : memref<8192xf32, #tpu.memory_space<vmem>>) target_semaphore(%run_scoped3A : memref<!tpu.dma_semaphore, #tpu.memory_space<semaphore_mem>>)
      tpu.wait_dma2 semaphore(%run_scoped3A : memref<!tpu.dma_semaphore, #tpu.memory_space<semaphore_mem>>) src(%arg5 : memref<8192xf32, #tpu.memory_space<hbm>>) dst(%arg12 : memref<8192xf32, #tpu.memory_space<vmem>>)
      tpu.yield
    }) : () -> ()
    "tpu.region"() ({
      %run_scoped3A = tpu.sem_alloc : memref<!tpu.dma_semaphore, #tpu.memory_space<semaphore_mem>>
      tpu.enqueue_dma source(%arg6 : memref<8192xf32, #tpu.memory_space<hbm>>) target(%arg13 : memref<8192xf32, #tpu.memory_space<vmem>>) target_semaphore(%run_scoped3A : memref<!tpu.dma_semaphore, #tpu.memory_space<semaphore_mem>>)
      tpu.wait_dma2 semaphore(%run_scoped3A : memref<!tpu.dma_semaphore, #tpu.memory_space<semaphore_mem>>) src(%arg6 : memref<8192xf32, #tpu.memory_space<hbm>>) dst(%arg13 : memref<8192xf32, #tpu.memory_space<vmem>>)
      tpu.yield
    }) : () -> ()
    "tpu.region"() ({
      %run_scoped3A = tpu.sem_alloc : memref<!tpu.dma_semaphore, #tpu.memory_space<semaphore_mem>>
      tpu.enqueue_dma source(%arg7 : memref<8192xf32, #tpu.memory_space<hbm>>) target(%arg14 : memref<8192xf32, #tpu.memory_space<vmem>>) target_semaphore(%run_scoped3A : memref<!tpu.dma_semaphore, #tpu.memory_space<semaphore_mem>>)
      tpu.wait_dma2 semaphore(%run_scoped3A : memref<!tpu.dma_semaphore, #tpu.memory_space<semaphore_mem>>) src(%arg7 : memref<8192xf32, #tpu.memory_space<hbm>>) dst(%arg14 : memref<8192xf32, #tpu.memory_space<vmem>>)
      tpu.yield
    }) : () -> ()
    %scan3A = arith.constant 0.000000e+00 : f32
    %scan3A_1 = arith.constant 0 : i32
    %scan3A_2 = arith.constant 512 : i32
    %scan3A_3 = arith.addi %scan3A_1, %scan3A_2 : i32
    %scan3A_4 = arith.constant 1 : i32
    scf.for %scan3A_38 = %scan3A_1 to %scan3A_3 step %scan3A_4  : i32 {
      %mul3A_39 = arith.constant 16 : i32
      %mul3A_40 = arith.muli %scan3A_38, %mul3A_39 : i32
      %get3A = arith.index_cast %mul3A_40 : i32 to index
      %get3A_41 = tpu.vector_load %arg9[%get3A] {strides = array<i32>} : memref<8192xf32, #tpu.memory_space<vmem>>, vector<16xf32>,
      %get3A_42 = arith.index_cast %mul3A_40 : i32 to index
      %get3A_43 = tpu.vector_load %arg10[%get3A_42] {strides = array<i32>} : memref<8192xf32, #tpu.memory_space<vmem>>, vector<16xf32>,
      %get3A_44 = arith.index_cast %mul3A_40 : i32 to index
      %get3A_45 = tpu.vector_load %arg11[%get3A_44] {strides = array<i32>} : memref<8192xf32, #tpu.memory_space<vmem>>, vector<16xf32>,
      %mul3A_46 = arith.mulf %get3A_41, %get3A_41 : vector<16xf32>
      %mul3A_47 = arith.mulf %get3A_43, %get3A_43 : vector<16xf32>
      %add3A_48 = arith.addf %mul3A_46, %mul3A_47 : vector<16xf32>
      %mul3A_49 = arith.mulf %get3A_45, %get3A_45 : vector<16xf32>
      %add3A_50 = arith.addf %add3A_48, %mul3A_49 : vector<16xf32>
      %swap3A_51 = arith.index_cast %mul3A_40 : i32 to index
      %swap3A_52 = tpu.vector_load %arg21[%swap3A_51] {strides = array<i32>} : memref<8192xf32, #tpu.memory_space<vmem>>, vector<16xf32>,
      tpu.vector_store %arg21[%swap3A_51], %add3A_50 {strides = array<i32>} : memref<8192xf32, #tpu.memory_space<vmem>>, vector<16xf32>,
      %bitcast_convert_type3A = tpu.bitcast %get3A_41 : vector<16xf32> -> vector<16xi32>
      %add3A_53 = arith.constant 32767 : i32
      %add3A_54 = vector.broadcast %add3A_53 : i32 to vector<16xi32>
      %add3A_55 = arith.addi %bitcast_convert_type3A, %add3A_54 : vector<16xi32>
      %shift_right_logical3A = arith.constant 16 : i32
      %shift_right_logical3A_56 = vector.broadcast %shift_right_logical3A : i32 to vector<16xi32>
      %shift_right_logical3A_57 = arith.shrui %bitcast_convert_type3A, %shift_right_logical3A_56 : vector<16xi32>
      %and3A = arith.constant 1 : i32
      %and3A_58 = vector.broadcast %and3A : i32 to vector<16xi32>
      %and3A_59 = arith.andi %shift_right_logical3A_57, %and3A_58 : vector<16xi32>
      %add3A_60 = arith.addi %add3A_55, %and3A_59 : vector<16xi32>
      %and3A_61 = arith.constant -65536 : i32
      %and3A_62 = vector.broadcast %and3A_61 : i32 to vector<16xi32>
      %and3A_63 = arith.andi %add3A_60, %and3A_62 : vector<16xi32>
      %bitcast_convert_type3A_64 = tpu.bitcast %and3A_63 : vector<16xi32> -> vector<16xf32>
      %swap3A_65 = arith.index_cast %mul3A_40 : i32 to index
      %swap3A_66 = tpu.vector_load %arg15[%swap3A_65] {strides = array<i32>} : memref<8192xf32, #tpu.memory_space<vmem>>, vector<16xf32>,
      tpu.vector_store %arg15[%swap3A_65], %bitcast_convert_type3A_64 {strides = array<i32>} : memref<8192xf32, #tpu.memory_space<vmem>>, vector<16xf32>,
      %bitcast_convert_type3A_67 = tpu.bitcast %get3A_43 : vector<16xf32> -> vector<16xi32>
      %add3A_68 = arith.constant 32767 : i32
      %add3A_69 = vector.broadcast %add3A_68 : i32 to vector<16xi32>
      %add3A_70 = arith.addi %bitcast_convert_type3A_67, %add3A_69 : vector<16xi32>
      %shift_right_logical3A_71 = arith.constant 16 : i32
      %shift_right_logical3A_72 = vector.broadcast %shift_right_logical3A_71 : i32 to vector<16xi32>
      %shift_right_logical3A_73 = arith.shrui %bitcast_convert_type3A_67, %shift_right_logical3A_72 : vector<16xi32>
      %and3A_74 = arith.constant 1 : i32
      %and3A_75 = vector.broadcast %and3A_74 : i32 to vector<16xi32>
      %and3A_76 = arith.andi %shift_right_logical3A_73, %and3A_75 : vector<16xi32>
      %add3A_77 = arith.addi %add3A_70, %and3A_76 : vector<16xi32>
      %and3A_78 = arith.constant -65536 : i32
      %and3A_79 = vector.broadcast %and3A_78 : i32 to vector<16xi32>
      %and3A_80 = arith.andi %add3A_77, %and3A_79 : vector<16xi32>
      %bitcast_convert_type3A_81 = tpu.bitcast %and3A_80 : vector<16xi32> -> vector<16xf32>
      %swap3A_82 = arith.index_cast %mul3A_40 : i32 to index
      %swap3A_83 = tpu.vector_load %arg16[%swap3A_82] {strides = array<i32>} : memref<8192xf32, #tpu.memory_space<vmem>>, vector<16xf32>,
      tpu.vector_store %arg16[%swap3A_82], %bitcast_convert_type3A_81 {strides = array<i32>} : memref<8192xf32, #tpu.memory_space<vmem>>, vector<16xf32>,
      %bitcast_convert_type3A_84 = tpu.bitcast %get3A_45 : vector<16xf32> -> vector<16xi32>
      %add3A_85 = arith.constant 32767 : i32
      %add3A_86 = vector.broadcast %add3A_85 : i32 to vector<16xi32>
      %add3A_87 = arith.addi %bitcast_convert_type3A_84, %add3A_86 : vector<16xi32>
      %shift_right_logical3A_88 = arith.constant 16 : i32
      %shift_right_logical3A_89 = vector.broadcast %shift_right_logical3A_88 : i32 to vector<16xi32>
      %shift_right_logical3A_90 = arith.shrui %bitcast_convert_type3A_84, %shift_right_logical3A_89 : vector<16xi32>
      %and3A_91 = arith.constant 1 : i32
      %and3A_92 = vector.broadcast %and3A_91 : i32 to vector<16xi32>
      %and3A_93 = arith.andi %shift_right_logical3A_90, %and3A_92 : vector<16xi32>
      %add3A_94 = arith.addi %add3A_87, %and3A_93 : vector<16xi32>
      %and3A_95 = arith.constant -65536 : i32
      %and3A_96 = vector.broadcast %and3A_95 : i32 to vector<16xi32>
      %and3A_97 = arith.andi %add3A_94, %and3A_96 : vector<16xi32>
      %bitcast_convert_type3A_98 = tpu.bitcast %and3A_97 : vector<16xi32> -> vector<16xf32>
      %swap3A_99 = arith.index_cast %mul3A_40 : i32 to index
      %swap3A_100 = tpu.vector_load %arg17[%swap3A_99] {strides = array<i32>} : memref<8192xf32, #tpu.memory_space<vmem>>, vector<16xf32>,
      tpu.vector_store %arg17[%swap3A_99], %bitcast_convert_type3A_98 {strides = array<i32>} : memref<8192xf32, #tpu.memory_space<vmem>>, vector<16xf32>,
    }
    %scan3A_5 = arith.constant 512 : i32
    %scan3A_6 = arith.constant 0.000000e+00 : f32
    %scan3A_7 = arith.constant 0 : i32
    %scan3A_8 = arith.constant 512 : i32
    %scan3A_9 = arith.addi %scan3A_7, %scan3A_8 : i32
    %scan3A_10 = arith.constant 1 : i32
    scf.for %scan3A_38 = %scan3A_7 to %scan3A_9 step %scan3A_10  : i32 {
      %mul3A_39 = arith.constant 16 : i32
      %mul3A_40 = arith.muli %scan3A_38, %mul3A_39 : i32
      %get3A = arith.index_cast %mul3A_40 : i32 to index
      %get3A_41 = tpu.vector_load %arg12[%get3A] {strides = array<i32>} : memref<8192xf32, #tpu.memory_space<vmem>>, vector<16xf32>,
      %get3A_42 = arith.index_cast %mul3A_40 : i32 to index
      %get3A_43 = tpu.vector_load %arg13[%get3A_42] {strides = array<i32>} : memref<8192xf32, #tpu.memory_space<vmem>>, vector<16xf32>,
      %get3A_44 = arith.index_cast %mul3A_40 : i32 to index
      %get3A_45 = tpu.vector_load %arg14[%get3A_44] {strides = array<i32>} : memref<8192xf32, #tpu.memory_space<vmem>>, vector<16xf32>,
      %mul3A_46 = arith.mulf %get3A_41, %get3A_41 : vector<16xf32>
      %mul3A_47 = arith.mulf %get3A_43, %get3A_43 : vector<16xf32>
      %add3A_48 = arith.addf %mul3A_46, %mul3A_47 : vector<16xf32>
      %mul3A_49 = arith.mulf %get3A_45, %get3A_45 : vector<16xf32>
      %add3A_50 = arith.addf %add3A_48, %mul3A_49 : vector<16xf32>
      %swap3A_51 = arith.index_cast %mul3A_40 : i32 to index
      %swap3A_52 = tpu.vector_load %arg22[%swap3A_51] {strides = array<i32>} : memref<8192xf32, #tpu.memory_space<vmem>>, vector<16xf32>,
      tpu.vector_store %arg22[%swap3A_51], %add3A_50 {strides = array<i32>} : memref<8192xf32, #tpu.memory_space<vmem>>, vector<16xf32>,
      %bitcast_convert_type3A = tpu.bitcast %get3A_41 : vector<16xf32> -> vector<16xi32>
      %add3A_53 = arith.constant 32767 : i32
      %add3A_54 = vector.broadcast %add3A_53 : i32 to vector<16xi32>
      %add3A_55 = arith.addi %bitcast_convert_type3A, %add3A_54 : vector<16xi32>
      %shift_right_logical3A = arith.constant 16 : i32
      %shift_right_logical3A_56 = vector.broadcast %shift_right_logical3A : i32 to vector<16xi32>
      %shift_right_logical3A_57 = arith.shrui %bitcast_convert_type3A, %shift_right_logical3A_56 : vector<16xi32>
      %and3A = arith.constant 1 : i32
      %and3A_58 = vector.broadcast %and3A : i32 to vector<16xi32>
      %and3A_59 = arith.andi %shift_right_logical3A_57, %and3A_58 : vector<16xi32>
      %add3A_60 = arith.addi %add3A_55, %and3A_59 : vector<16xi32>
      %and3A_61 = arith.constant -65536 : i32
      %and3A_62 = vector.broadcast %and3A_61 : i32 to vector<16xi32>
      %and3A_63 = arith.andi %add3A_60, %and3A_62 : vector<16xi32>
      %bitcast_convert_type3A_64 = tpu.bitcast %and3A_63 : vector<16xi32> -> vector<16xf32>
      %swap3A_65 = arith.index_cast %mul3A_40 : i32 to index
      %swap3A_66 = tpu.vector_load %arg18[%swap3A_65] {strides = array<i32>} : memref<8192xf32, #tpu.memory_space<vmem>>, vector<16xf32>,
      tpu.vector_store %arg18[%swap3A_65], %bitcast_convert_type3A_64 {strides = array<i32>} : memref<8192xf32, #tpu.memory_space<vmem>>, vector<16xf32>,
      %bitcast_convert_type3A_67 = tpu.bitcast %get3A_43 : vector<16xf32> -> vector<16xi32>
      %add3A_68 = arith.constant 32767 : i32
      %add3A_69 = vector.broadcast %add3A_68 : i32 to vector<16xi32>
      %add3A_70 = arith.addi %bitcast_convert_type3A_67, %add3A_69 : vector<16xi32>
      %shift_right_logical3A_71 = arith.constant 16 : i32
      %shift_right_logical3A_72 = vector.broadcast %shift_right_logical3A_71 : i32 to vector<16xi32>
      %shift_right_logical3A_73 = arith.shrui %bitcast_convert_type3A_67, %shift_right_logical3A_72 : vector<16xi32>
      %and3A_74 = arith.constant 1 : i32
      %and3A_75 = vector.broadcast %and3A_74 : i32 to vector<16xi32>
      %and3A_76 = arith.andi %shift_right_logical3A_73, %and3A_75 : vector<16xi32>
      %add3A_77 = arith.addi %add3A_70, %and3A_76 : vector<16xi32>
      %and3A_78 = arith.constant -65536 : i32
      %and3A_79 = vector.broadcast %and3A_78 : i32 to vector<16xi32>
      %and3A_80 = arith.andi %add3A_77, %and3A_79 : vector<16xi32>
      %bitcast_convert_type3A_81 = tpu.bitcast %and3A_80 : vector<16xi32> -> vector<16xf32>
      %swap3A_82 = arith.index_cast %mul3A_40 : i32 to index
      %swap3A_83 = tpu.vector_load %arg19[%swap3A_82] {strides = array<i32>} : memref<8192xf32, #tpu.memory_space<vmem>>, vector<16xf32>,
      tpu.vector_store %arg19[%swap3A_82], %bitcast_convert_type3A_81 {strides = array<i32>} : memref<8192xf32, #tpu.memory_space<vmem>>, vector<16xf32>,
      %bitcast_convert_type3A_84 = tpu.bitcast %get3A_45 : vector<16xf32> -> vector<16xi32>
      %add3A_85 = arith.constant 32767 : i32
      %add3A_86 = vector.broadcast %add3A_85 : i32 to vector<16xi32>
      %add3A_87 = arith.addi %bitcast_convert_type3A_84, %add3A_86 : vector<16xi32>
      %shift_right_logical3A_88 = arith.constant 16 : i32
      %shift_right_logical3A_89 = vector.broadcast %shift_right_logical3A_88 : i32 to vector<16xi32>
      %shift_right_logical3A_90 = arith.shrui %bitcast_convert_type3A_84, %shift_right_logical3A_89 : vector<16xi32>
      %and3A_91 = arith.constant 1 : i32
      %and3A_92 = vector.broadcast %and3A_91 : i32 to vector<16xi32>
      %and3A_93 = arith.andi %shift_right_logical3A_90, %and3A_92 : vector<16xi32>
      %add3A_94 = arith.addi %add3A_87, %and3A_93 : vector<16xi32>
      %and3A_95 = arith.constant -65536 : i32
      %and3A_96 = vector.broadcast %and3A_95 : i32 to vector<16xi32>
      %and3A_97 = arith.andi %add3A_94, %and3A_96 : vector<16xi32>
      %bitcast_convert_type3A_98 = tpu.bitcast %and3A_97 : vector<16xi32> -> vector<16xf32>
      %swap3A_99 = arith.index_cast %mul3A_40 : i32 to index
      %swap3A_100 = tpu.vector_load %arg20[%swap3A_99] {strides = array<i32>} : memref<8192xf32, #tpu.memory_space<vmem>>, vector<16xf32>,
      tpu.vector_store %arg20[%swap3A_99], %bitcast_convert_type3A_98 {strides = array<i32>} : memref<8192xf32, #tpu.memory_space<vmem>>, vector<16xf32>,
    }
    %scan3A_11 = arith.constant 512 : i32
    %mul3A_12 = arith.constant 256 : i32
    %mul3A_13 = arith.muli %add3A, %mul3A_12 : i32
    %broadcast_in_dim3A = arith.constant 3.000000e+38 : f32
    %broadcast_in_dim3A_14 = vector.broadcast %broadcast_in_dim3A : f32 to vector<16xf32>
    %scan3A_15 = arith.constant 0.000000e+00 : f32
    %scan3A_16 = arith.constant 0 : i32
    %scan3A_17 = arith.constant 32 : i32
    %scan3A_18 = arith.addi %scan3A_16, %scan3A_17 : i32
    %scan3A_19 = arith.constant 1 : i32
    %scan3A_20 = scf.for %scan3A_38 = %scan3A_16 to %scan3A_18 step %scan3A_19 iter_args(%scan3A_39 = %scan3A_15) -> (f32)  : i32 {
      %mul3A_40 = arith.constant 8 : i32
      %mul3A_41 = arith.muli %scan3A_38, %mul3A_40 : i32
      %add3A_42 = arith.addi %mul3A_13, %mul3A_41 : i32
      %get3A = arith.index_cast %add3A_42 : i32 to index
      %get3A_43 = tpu.vector_load %arg15[%get3A] {strides = array<i32>} : memref<8192xf32, #tpu.memory_space<vmem>>, vector<16xf32>,
      %get3A_44 = arith.index_cast %add3A_42 : i32 to index
      %get3A_45 = tpu.vector_load %arg16[%get3A_44] {strides = array<i32>} : memref<8192xf32, #tpu.memory_space<vmem>>, vector<16xf32>,
      %get3A_46 = arith.index_cast %add3A_42 : i32 to index
      %get3A_47 = tpu.vector_load %arg17[%get3A_46] {strides = array<i32>} : memref<8192xf32, #tpu.memory_space<vmem>>, vector<16xf32>,
      %get3A_48 = arith.index_cast %add3A_42 : i32 to index
      %get3A_49 = tpu.vector_load %arg21[%get3A_48] {strides = array<i32>} : memref<8192xf32, #tpu.memory_space<vmem>>, vector<16xf32>,
      %mul3A_50 = arith.constant -2.000000e+00 : f32
      %mul3A_51 = vector.broadcast %mul3A_50 : f32 to vector<16xf32>
      %mul3A_52 = arith.mulf %get3A_43, %mul3A_51 : vector<16xf32>
      %mul3A_53 = arith.constant -2.000000e+00 : f32
      %mul3A_54 = vector.broadcast %mul3A_53 : f32 to vector<16xf32>
      %mul3A_55 = arith.mulf %get3A_45, %mul3A_54 : vector<16xf32>
      %mul3A_56 = arith.constant -2.000000e+00 : f32
      %mul3A_57 = vector.broadcast %mul3A_56 : f32 to vector<16xf32>
      %mul3A_58 = arith.mulf %get3A_47, %mul3A_57 : vector<16xf32>
      %slice3A = vector.extract_strided_slice %mul3A_52 {offsets = [0], sizes = [1], strides = [1]} : vector<16xf32> to vector<1xf32>
      %squeeze3A = vector.extract %slice3A[0] : f32 from vector<1xf32>
      %slice3A_59 = vector.extract_strided_slice %mul3A_55 {offsets = [0], sizes = [1], strides = [1]} : vector<16xf32> to vector<1xf32>
      %squeeze3A_60 = vector.extract %slice3A_59[0] : f32 from vector<1xf32>
      %slice3A_61 = vector.extract_strided_slice %mul3A_58 {offsets = [0], sizes = [1], strides = [1]} : vector<16xf32> to vector<1xf32>
      %squeeze3A_62 = vector.extract %slice3A_61[0] : f32 from vector<1xf32>
      %slice3A_63 = vector.extract_strided_slice %mul3A_52 {offsets = [1], sizes = [1], strides = [1]} : vector<16xf32> to vector<1xf32>
      %squeeze3A_64 = vector.extract %slice3A_63[0] : f32 from vector<1xf32>
      %slice3A_65 = vector.extract_strided_slice %mul3A_55 {offsets = [1], sizes = [1], strides = [1]} : vector<16xf32> to vector<1xf32>
      %squeeze3A_66 = vector.extract %slice3A_65[0] : f32 from vector<1xf32>
      %slice3A_67 = vector.extract_strided_slice %mul3A_58 {offsets = [1], sizes = [1], strides = [1]} : vector<16xf32> to vector<1xf32>
      %squeeze3A_68 = vector.extract %slice3A_67[0] : f32 from vector<1xf32>
      %slice3A_69 = vector.extract_strided_slice %mul3A_52 {offsets = [2], sizes = [1], strides = [1]} : vector<16xf32> to vector<1xf32>
      %squeeze3A_70 = vector.extract %slice3A_69[0] : f32 from vector<1xf32>
      %slice3A_71 = vector.extract_strided_slice %mul3A_55 {offsets = [2], sizes = [1], strides = [1]} : vector<16xf32> to vector<1xf32>
      %squeeze3A_72 = vector.extract %slice3A_71[0] : f32 from vector<1xf32>
      %slice3A_73 = vector.extract_strided_slice %mul3A_58 {offsets = [2], sizes = [1], strides = [1]} : vector<16xf32> to vector<1xf32>
      %squeeze3A_74 = vector.extract %slice3A_73[0] : f32 from vector<1xf32>
      %slice3A_75 = vector.extract_strided_slice %mul3A_52 {offsets = [3], sizes = [1], strides = [1]} : vector<16xf32> to vector<1xf32>
      %squeeze3A_76 = vector.extract %slice3A_75[0] : f32 from vector<1xf32>
      %slice3A_77 = vector.extract_strided_slice %mul3A_55 {offsets = [3], sizes = [1], strides = [1]} : vector<16xf32> to vector<1xf32>
      %squeeze3A_78 = vector.extract %slice3A_77[0] : f32 from vector<1xf32>
      %slice3A_79 = vector.extract_strided_slice %mul3A_58 {offsets = [3], sizes = [1], strides = [1]} : vector<16xf32> to vector<1xf32>
      %squeeze3A_80 = vector.extract %slice3A_79[0] : f32 from vector<1xf32>
      %slice3A_81 = vector.extract_strided_slice %mul3A_52 {offsets = [4], sizes = [1], strides = [1]} : vector<16xf32> to vector<1xf32>
      %squeeze3A_82 = vector.extract %slice3A_81[0] : f32 from vector<1xf32>
      %slice3A_83 = vector.extract_strided_slice %mul3A_55 {offsets = [4], sizes = [1], strides = [1]} : vector<16xf32> to vector<1xf32>
      %squeeze3A_84 = vector.extract %slice3A_83[0] : f32 from vector<1xf32>
      %slice3A_85 = vector.extract_strided_slice %mul3A_58 {offsets = [4], sizes = [1], strides = [1]} : vector<16xf32> to vector<1xf32>
      %squeeze3A_86 = vector.extract %slice3A_85[0] : f32 from vector<1xf32>
      %slice3A_87 = vector.extract_strided_slice %mul3A_52 {offsets = [5], sizes = [1], strides = [1]} : vector<16xf32> to vector<1xf32>
      %squeeze3A_88 = vector.extract %slice3A_87[0] : f32 from vector<1xf32>
      %slice3A_89 = vector.extract_strided_slice %mul3A_55 {offsets = [5], sizes = [1], strides = [1]} : vector<16xf32> to vector<1xf32>
      %squeeze3A_90 = vector.extract %slice3A_89[0] : f32 from vector<1xf32>
      %slice3A_91 = vector.extract_strided_slice %mul3A_58 {offsets = [5], sizes = [1], strides = [1]} : vector<16xf32> to vector<1xf32>
      %squeeze3A_92 = vector.extract %slice3A_91[0] : f32 from vector<1xf32>
      %slice3A_93 = vector.extract_strided_slice %mul3A_52 {offsets = [6], sizes = [1], strides = [1]} : vector<16xf32> to vector<1xf32>
      %squeeze3A_94 = vector.extract %slice3A_93[0] : f32 from vector<1xf32>
      %slice3A_95 = vector.extract_strided_slice %mul3A_55 {offsets = [6], sizes = [1], strides = [1]} : vector<16xf32> to vector<1xf32>
      %squeeze3A_96 = vector.extract %slice3A_95[0] : f32 from vector<1xf32>
      %slice3A_97 = vector.extract_strided_slice %mul3A_58 {offsets = [6], sizes = [1], strides = [1]} : vector<16xf32> to vector<1xf32>
      %squeeze3A_98 = vector.extract %slice3A_97[0] : f32 from vector<1xf32>
      %slice3A_99 = vector.extract_strided_slice %mul3A_52 {offsets = [7], sizes = [1], strides = [1]} : vector<16xf32> to vector<1xf32>
      %squeeze3A_100 = vector.extract %slice3A_99[0] : f32 from vector<1xf32>
      %slice3A_101 = vector.extract_strided_slice %mul3A_55 {offsets = [7], sizes = [1], strides = [1]} : vector<16xf32> to vector<1xf32>
      %squeeze3A_102 = vector.extract %slice3A_101[0] : f32 from vector<1xf32>
      %slice3A_103 = vector.extract_strided_slice %mul3A_58 {offsets = [7], sizes = [1], strides = [1]} : vector<16xf32> to vector<1xf32>
      %squeeze3A_104 = vector.extract %slice3A_103[0] : f32 from vector<1xf32>
      %parallel_loop3A = arith.constant 0 : i32
      %parallel_loop3A_105 = arith.constant 8192 : i32
      %parallel_loop3A_106 = arith.constant 16 : i32
      %parallel_loop3A_107:8 = scf.for %parallel_loop3A_202 = %parallel_loop3A to %parallel_loop3A_105 step %parallel_loop3A_106 iter_args(%parallel_loop3A_203 = %broadcast_in_dim3A_14, %parallel_loop3A_204 = %broadcast_in_dim3A_14, %parallel_loop3A_205 = %broadcast_in_dim3A_14, %parallel_loop3A_206 = %broadcast_in_dim3A_14, %parallel_loop3A_207 = %broadcast_in_dim3A_14, %parallel_loop3A_208 = %broadcast_in_dim3A_14, %parallel_loop3A_209 = %broadcast_in_dim3A_14, %parallel_loop3A_210 = %broadcast_in_dim3A_14) -> (vector<16xf32>, vector<16xf32>, vector<16xf32>, vector<16xf32>, vector<16xf32>, vector<16xf32>, vector<16xf32>, vector<16xf32>)  : i32 {
        %parallel_loop3A_211 = arith.index_cast %parallel_loop3A_202 : i32 to index
        %parallel_loop3A_212 = tpu.vector_load %arg18[%parallel_loop3A_211] {strides = array<i32>} : memref<8192xf32, #tpu.memory_space<vmem>>, vector<16xf32>,
        %parallel_loop3A_213 = arith.index_cast %parallel_loop3A_202 : i32 to index
        %parallel_loop3A_214 = tpu.vector_load %arg19[%parallel_loop3A_213] {strides = array<i32>} : memref<8192xf32, #tpu.memory_space<vmem>>, vector<16xf32>,
        %parallel_loop3A_215 = arith.index_cast %parallel_loop3A_202 : i32 to index
        %parallel_loop3A_216 = tpu.vector_load %arg20[%parallel_loop3A_215] {strides = array<i32>} : memref<8192xf32, #tpu.memory_space<vmem>>, vector<16xf32>,
        %parallel_loop3A_217 = arith.index_cast %parallel_loop3A_202 : i32 to index
        %parallel_loop3A_218 = tpu.vector_load %arg22[%parallel_loop3A_217] {strides = array<i32>} : memref<8192xf32, #tpu.memory_space<vmem>>, vector<16xf32>,
        %parallel_loop3A_219 = vector.broadcast %squeeze3A : f32 to vector<16xf32>
        %parallel_loop3A_220 = arith.mulf %parallel_loop3A_212, %parallel_loop3A_219 : vector<16xf32>
        %parallel_loop3A_221 = arith.addf %parallel_loop3A_218, %parallel_loop3A_220 : vector<16xf32>
        %parallel_loop3A_222 = vector.broadcast %squeeze3A_60 : f32 to vector<16xf32>
        %parallel_loop3A_223 = arith.mulf %parallel_loop3A_214, %parallel_loop3A_222 : vector<16xf32>
        %parallel_loop3A_224 = vector.broadcast %squeeze3A_62 : f32 to vector<16xf32>
        %parallel_loop3A_225 = arith.mulf %parallel_loop3A_216, %parallel_loop3A_224 : vector<16xf32>
        %parallel_loop3A_226 = arith.addf %parallel_loop3A_223, %parallel_loop3A_225 : vector<16xf32>
        %parallel_loop3A_227 = arith.addf %parallel_loop3A_221, %parallel_loop3A_226 : vector<16xf32>
        %parallel_loop3A_228 = arith.minimumf %parallel_loop3A_203, %parallel_loop3A_227 : vector<16xf32>
        %parallel_loop3A_229 = vector.broadcast %squeeze3A_64 : f32 to vector<16xf32>
        %parallel_loop3A_230 = arith.mulf %parallel_loop3A_212, %parallel_loop3A_229 : vector<16xf32>
        %parallel_loop3A_231 = arith.addf %parallel_loop3A_218, %parallel_loop3A_230 : vector<16xf32>
        %parallel_loop3A_232 = vector.broadcast %squeeze3A_66 : f32 to vector<16xf32>
        %parallel_loop3A_233 = arith.mulf %parallel_loop3A_214, %parallel_loop3A_232 : vector<16xf32>
        %parallel_loop3A_234 = vector.broadcast %squeeze3A_68 : f32 to vector<16xf32>
        %parallel_loop3A_235 = arith.mulf %parallel_loop3A_216, %parallel_loop3A_234 : vector<16xf32>
        %parallel_loop3A_236 = arith.addf %parallel_loop3A_233, %parallel_loop3A_235 : vector<16xf32>
        %parallel_loop3A_237 = arith.addf %parallel_loop3A_231, %parallel_loop3A_236 : vector<16xf32>
        %parallel_loop3A_238 = arith.minimumf %parallel_loop3A_204, %parallel_loop3A_237 : vector<16xf32>
        %parallel_loop3A_239 = vector.broadcast %squeeze3A_70 : f32 to vector<16xf32>
        %parallel_loop3A_240 = arith.mulf %parallel_loop3A_212, %parallel_loop3A_239 : vector<16xf32>
        %parallel_loop3A_241 = arith.addf %parallel_loop3A_218, %parallel_loop3A_240 : vector<16xf32>
        %parallel_loop3A_242 = vector.broadcast %squeeze3A_72 : f32 to vector<16xf32>
        %parallel_loop3A_243 = arith.mulf %parallel_loop3A_214, %parallel_loop3A_242 : vector<16xf32>
        %parallel_loop3A_244 = vector.broadcast %squeeze3A_74 : f32 to vector<16xf32>
        %parallel_loop3A_245 = arith.mulf %parallel_loop3A_216, %parallel_loop3A_244 : vector<16xf32>
        %parallel_loop3A_246 = arith.addf %parallel_loop3A_243, %parallel_loop3A_245 : vector<16xf32>
        %parallel_loop3A_247 = arith.addf %parallel_loop3A_241, %parallel_loop3A_246 : vector<16xf32>
        %parallel_loop3A_248 = arith.minimumf %parallel_loop3A_205, %parallel_loop3A_247 : vector<16xf32>
        %parallel_loop3A_249 = vector.broadcast %squeeze3A_76 : f32 to vector<16xf32>
        %parallel_loop3A_250 = arith.mulf %parallel_loop3A_212, %parallel_loop3A_249 : vector<16xf32>
        %parallel_loop3A_251 = arith.addf %parallel_loop3A_218, %parallel_loop3A_250 : vector<16xf32>
        %parallel_loop3A_252 = vector.broadcast %squeeze3A_78 : f32 to vector<16xf32>
        %parallel_loop3A_253 = arith.mulf %parallel_loop3A_214, %parallel_loop3A_252 : vector<16xf32>
        %parallel_loop3A_254 = vector.broadcast %squeeze3A_80 : f32 to vector<16xf32>
        %parallel_loop3A_255 = arith.mulf %parallel_loop3A_216, %parallel_loop3A_254 : vector<16xf32>
        %parallel_loop3A_256 = arith.addf %parallel_loop3A_253, %parallel_loop3A_255 : vector<16xf32>
        %parallel_loop3A_257 = arith.addf %parallel_loop3A_251, %parallel_loop3A_256 : vector<16xf32>
        %parallel_loop3A_258 = arith.minimumf %parallel_loop3A_206, %parallel_loop3A_257 : vector<16xf32>
        %parallel_loop3A_259 = vector.broadcast %squeeze3A_82 : f32 to vector<16xf32>
        %parallel_loop3A_260 = arith.mulf %parallel_loop3A_212, %parallel_loop3A_259 : vector<16xf32>
        %parallel_loop3A_261 = arith.addf %parallel_loop3A_218, %parallel_loop3A_260 : vector<16xf32>
        %parallel_loop3A_262 = vector.broadcast %squeeze3A_84 : f32 to vector<16xf32>
        %parallel_loop3A_263 = arith.mulf %parallel_loop3A_214, %parallel_loop3A_262 : vector<16xf32>
        %parallel_loop3A_264 = vector.broadcast %squeeze3A_86 : f32 to vector<16xf32>
        %parallel_loop3A_265 = arith.mulf %parallel_loop3A_216, %parallel_loop3A_264 : vector<16xf32>
        %parallel_loop3A_266 = arith.addf %parallel_loop3A_263, %parallel_loop3A_265 : vector<16xf32>
        %parallel_loop3A_267 = arith.addf %parallel_loop3A_261, %parallel_loop3A_266 : vector<16xf32>
        %parallel_loop3A_268 = arith.minimumf %parallel_loop3A_207, %parallel_loop3A_267 : vector<16xf32>
        %parallel_loop3A_269 = vector.broadcast %squeeze3A_88 : f32 to vector<16xf32>
        %parallel_loop3A_270 = arith.mulf %parallel_loop3A_212, %parallel_loop3A_269 : vector<16xf32>
        %parallel_loop3A_271 = arith.addf %parallel_loop3A_218, %parallel_loop3A_270 : vector<16xf32>
        %parallel_loop3A_272 = vector.broadcast %squeeze3A_90 : f32 to vector<16xf32>
        %parallel_loop3A_273 = arith.mulf %parallel_loop3A_214, %parallel_loop3A_272 : vector<16xf32>
        %parallel_loop3A_274 = vector.broadcast %squeeze3A_92 : f32 to vector<16xf32>
        %parallel_loop3A_275 = arith.mulf %parallel_loop3A_216, %parallel_loop3A_274 : vector<16xf32>
        %parallel_loop3A_276 = arith.addf %parallel_loop3A_273, %parallel_loop3A_275 : vector<16xf32>
        %parallel_loop3A_277 = arith.addf %parallel_loop3A_271, %parallel_loop3A_276 : vector<16xf32>
        %parallel_loop3A_278 = arith.minimumf %parallel_loop3A_208, %parallel_loop3A_277 : vector<16xf32>
        %parallel_loop3A_279 = vector.broadcast %squeeze3A_94 : f32 to vector<16xf32>
        %parallel_loop3A_280 = arith.mulf %parallel_loop3A_212, %parallel_loop3A_279 : vector<16xf32>
        %parallel_loop3A_281 = arith.addf %parallel_loop3A_218, %parallel_loop3A_280 : vector<16xf32>
        %parallel_loop3A_282 = vector.broadcast %squeeze3A_96 : f32 to vector<16xf32>
        %parallel_loop3A_283 = arith.mulf %parallel_loop3A_214, %parallel_loop3A_282 : vector<16xf32>
        %parallel_loop3A_284 = vector.broadcast %squeeze3A_98 : f32 to vector<16xf32>
        %parallel_loop3A_285 = arith.mulf %parallel_loop3A_216, %parallel_loop3A_284 : vector<16xf32>
        %parallel_loop3A_286 = arith.addf %parallel_loop3A_283, %parallel_loop3A_285 : vector<16xf32>
        %parallel_loop3A_287 = arith.addf %parallel_loop3A_281, %parallel_loop3A_286 : vector<16xf32>
        %parallel_loop3A_288 = arith.minimumf %parallel_loop3A_209, %parallel_loop3A_287 : vector<16xf32>
        %parallel_loop3A_289 = vector.broadcast %squeeze3A_100 : f32 to vector<16xf32>
        %parallel_loop3A_290 = arith.mulf %parallel_loop3A_212, %parallel_loop3A_289 : vector<16xf32>
        %parallel_loop3A_291 = arith.addf %parallel_loop3A_218, %parallel_loop3A_290 : vector<16xf32>
        %parallel_loop3A_292 = vector.broadcast %squeeze3A_102 : f32 to vector<16xf32>
        %parallel_loop3A_293 = arith.mulf %parallel_loop3A_214, %parallel_loop3A_292 : vector<16xf32>
        %parallel_loop3A_294 = vector.broadcast %squeeze3A_104 : f32 to vector<16xf32>
        %parallel_loop3A_295 = arith.mulf %parallel_loop3A_216, %parallel_loop3A_294 : vector<16xf32>
        %parallel_loop3A_296 = arith.addf %parallel_loop3A_293, %parallel_loop3A_295 : vector<16xf32>
        %parallel_loop3A_297 = arith.addf %parallel_loop3A_291, %parallel_loop3A_296 : vector<16xf32>
        %parallel_loop3A_298 = arith.minimumf %parallel_loop3A_210, %parallel_loop3A_297 : vector<16xf32>
        scf.yield %parallel_loop3A_228, %parallel_loop3A_238, %parallel_loop3A_248, %parallel_loop3A_258, %parallel_loop3A_268, %parallel_loop3A_278, %parallel_loop3A_288, %parallel_loop3A_298 : vector<16xf32>, vector<16xf32>, vector<16xf32>, vector<16xf32>, vector<16xf32>, vector<16xf32>, vector<16xf32>, vector<16xf32>
      } {sc.loop_unroll_factor = 2 : i64, sc.parallel_access}
      %masked_sort3A = arith.constant dense<true> : vector<16xi1>
      %masked_sort3A_108, %masked_sort3A_109, %masked_sort3A_110 = tpu.sort %parallel_loop3A_107#0, %parallel_loop3A_107#0 masked %masked_sort3A : (vector<16xf32>, vector<16xf32>, vector<16xi1>) -> (vector<16xi1>, vector<16xf32>, vector<16xf32>)
      %slice3A_111 = vector.extract_strided_slice %masked_sort3A_109 {offsets = [0], sizes = [1], strides = [1]} : vector<16xf32> to vector<1xf32>
      %squeeze3A_112 = vector.extract %slice3A_111[0] : f32 from vector<1xf32>
      %slice3A_113 = vector.extract_strided_slice %get3A_49 {offsets = [0], sizes = [1], strides = [1]} : vector<16xf32> to vector<1xf32>
      %squeeze3A_114 = vector.extract %slice3A_113[0] : f32 from vector<1xf32>
      %add3A_115 = arith.addf %squeeze3A_112, %squeeze3A_114 : f32
      %max3A = arith.constant 0.000000e+00 : f32
      %max3A_116 = arith.maximumf %add3A_115, %max3A : f32
      %add3A_117 = arith.addf %scan3A_39, %max3A_116 : f32
      %masked_sort3A_118 = arith.constant dense<true> : vector<16xi1>
      %masked_sort3A_119, %masked_sort3A_120, %masked_sort3A_121 = tpu.sort %parallel_loop3A_107#1, %parallel_loop3A_107#1 masked %masked_sort3A_118 : (vector<16xf32>, vector<16xf32>, vector<16xi1>) -> (vector<16xi1>, vector<16xf32>, vector<16xf32>)
      %slice3A_122 = vector.extract_strided_slice %masked_sort3A_120 {offsets = [0], sizes = [1], strides = [1]} : vector<16xf32> to vector<1xf32>
      %squeeze3A_123 = vector.extract %slice3A_122[0] : f32 from vector<1xf32>
      %slice3A_124 = vector.extract_strided_slice %get3A_49 {offsets = [1], sizes = [1], strides = [1]} : vector<16xf32> to vector<1xf32>
      %squeeze3A_125 = vector.extract %slice3A_124[0] : f32 from vector<1xf32>
      %add3A_126 = arith.addf %squeeze3A_123, %squeeze3A_125 : f32
      %max3A_127 = arith.constant 0.000000e+00 : f32
      %max3A_128 = arith.maximumf %add3A_126, %max3A_127 : f32
      %add3A_129 = arith.addf %add3A_117, %max3A_128 : f32
      %masked_sort3A_130 = arith.constant dense<true> : vector<16xi1>
      %masked_sort3A_131, %masked_sort3A_132, %masked_sort3A_133 = tpu.sort %parallel_loop3A_107#2, %parallel_loop3A_107#2 masked %masked_sort3A_130 : (vector<16xf32>, vector<16xf32>, vector<16xi1>) -> (vector<16xi1>, vector<16xf32>, vector<16xf32>)
      %slice3A_134 = vector.extract_strided_slice %masked_sort3A_132 {offsets = [0], sizes = [1], strides = [1]} : vector<16xf32> to vector<1xf32>
      %squeeze3A_135 = vector.extract %slice3A_134[0] : f32 from vector<1xf32>
      %slice3A_136 = vector.extract_strided_slice %get3A_49 {offsets = [2], sizes = [1], strides = [1]} : vector<16xf32> to vector<1xf32>
      %squeeze3A_137 = vector.extract %slice3A_136[0] : f32 from vector<1xf32>
      %add3A_138 = arith.addf %squeeze3A_135, %squeeze3A_137 : f32
      %max3A_139 = arith.constant 0.000000e+00 : f32
      %max3A_140 = arith.maximumf %add3A_138, %max3A_139 : f32
      %add3A_141 = arith.addf %add3A_129, %max3A_140 : f32
      %masked_sort3A_142 = arith.constant dense<true> : vector<16xi1>
      %masked_sort3A_143, %masked_sort3A_144, %masked_sort3A_145 = tpu.sort %parallel_loop3A_107#3, %parallel_loop3A_107#3 masked %masked_sort3A_142 : (vector<16xf32>, vector<16xf32>, vector<16xi1>) -> (vector<16xi1>, vector<16xf32>, vector<16xf32>)
      %slice3A_146 = vector.extract_strided_slice %masked_sort3A_144 {offsets = [0], sizes = [1], strides = [1]} : vector<16xf32> to vector<1xf32>
      %squeeze3A_147 = vector.extract %slice3A_146[0] : f32 from vector<1xf32>
      %slice3A_148 = vector.extract_strided_slice %get3A_49 {offsets = [3], sizes = [1], strides = [1]} : vector<16xf32> to vector<1xf32>
      %squeeze3A_149 = vector.extract %slice3A_148[0] : f32 from vector<1xf32>
      %add3A_150 = arith.addf %squeeze3A_147, %squeeze3A_149 : f32
      %max3A_151 = arith.constant 0.000000e+00 : f32
      %max3A_152 = arith.maximumf %add3A_150, %max3A_151 : f32
      %add3A_153 = arith.addf %add3A_141, %max3A_152 : f32
      %masked_sort3A_154 = arith.constant dense<true> : vector<16xi1>
      %masked_sort3A_155, %masked_sort3A_156, %masked_sort3A_157 = tpu.sort %parallel_loop3A_107#4, %parallel_loop3A_107#4 masked %masked_sort3A_154 : (vector<16xf32>, vector<16xf32>, vector<16xi1>) -> (vector<16xi1>, vector<16xf32>, vector<16xf32>)
      %slice3A_158 = vector.extract_strided_slice %masked_sort3A_156 {offsets = [0], sizes = [1], strides = [1]} : vector<16xf32> to vector<1xf32>
      %squeeze3A_159 = vector.extract %slice3A_158[0] : f32 from vector<1xf32>
      %slice3A_160 = vector.extract_strided_slice %get3A_49 {offsets = [4], sizes = [1], strides = [1]} : vector<16xf32> to vector<1xf32>
      %squeeze3A_161 = vector.extract %slice3A_160[0] : f32 from vector<1xf32>
      %add3A_162 = arith.addf %squeeze3A_159, %squeeze3A_161 : f32
      %max3A_163 = arith.constant 0.000000e+00 : f32
      %max3A_164 = arith.maximumf %add3A_162, %max3A_163 : f32
      %add3A_165 = arith.addf %add3A_153, %max3A_164 : f32
      %masked_sort3A_166 = arith.constant dense<true> : vector<16xi1>
      %masked_sort3A_167, %masked_sort3A_168, %masked_sort3A_169 = tpu.sort %parallel_loop3A_107#5, %parallel_loop3A_107#5 masked %masked_sort3A_166 : (vector<16xf32>, vector<16xf32>, vector<16xi1>) -> (vector<16xi1>, vector<16xf32>, vector<16xf32>)
      %slice3A_170 = vector.extract_strided_slice %masked_sort3A_168 {offsets = [0], sizes = [1], strides = [1]} : vector<16xf32> to vector<1xf32>
      %squeeze3A_171 = vector.extract %slice3A_170[0] : f32 from vector<1xf32>
      %slice3A_172 = vector.extract_strided_slice %get3A_49 {offsets = [5], sizes = [1], strides = [1]} : vector<16xf32> to vector<1xf32>
      %squeeze3A_173 = vector.extract %slice3A_172[0] : f32 from vector<1xf32>
      %add3A_174 = arith.addf %squeeze3A_171, %squeeze3A_173 : f32
      %max3A_175 = arith.constant 0.000000e+00 : f32
      %max3A_176 = arith.maximumf %add3A_174, %max3A_175 : f32
      %add3A_177 = arith.addf %add3A_165, %max3A_176 : f32
      %masked_sort3A_178 = arith.constant dense<true> : vector<16xi1>
      %masked_sort3A_179, %masked_sort3A_180, %masked_sort3A_181 = tpu.sort %parallel_loop3A_107#6, %parallel_loop3A_107#6 masked %masked_sort3A_178 : (vector<16xf32>, vector<16xf32>, vector<16xi1>) -> (vector<16xi1>, vector<16xf32>, vector<16xf32>)
      %slice3A_182 = vector.extract_strided_slice %masked_sort3A_180 {offsets = [0], sizes = [1], strides = [1]} : vector<16xf32> to vector<1xf32>
      %squeeze3A_183 = vector.extract %slice3A_182[0] : f32 from vector<1xf32>
      %slice3A_184 = vector.extract_strided_slice %get3A_49 {offsets = [6], sizes = [1], strides = [1]} : vector<16xf32> to vector<1xf32>
      %squeeze3A_185 = vector.extract %slice3A_184[0] : f32 from vector<1xf32>
      %add3A_186 = arith.addf %squeeze3A_183, %squeeze3A_185 : f32
      %max3A_187 = arith.constant 0.000000e+00 : f32
      %max3A_188 = arith.maximumf %add3A_186, %max3A_187 : f32
      %add3A_189 = arith.addf %add3A_177, %max3A_188 : f32
      %masked_sort3A_190 = arith.constant dense<true> : vector<16xi1>
      %masked_sort3A_191, %masked_sort3A_192, %masked_sort3A_193 = tpu.sort %parallel_loop3A_107#7, %parallel_loop3A_107#7 masked %masked_sort3A_190 : (vector<16xf32>, vector<16xf32>, vector<16xi1>) -> (vector<16xi1>, vector<16xf32>, vector<16xf32>)
      %slice3A_194 = vector.extract_strided_slice %masked_sort3A_192 {offsets = [0], sizes = [1], strides = [1]} : vector<16xf32> to vector<1xf32>
      %squeeze3A_195 = vector.extract %slice3A_194[0] : f32 from vector<1xf32>
      %slice3A_196 = vector.extract_strided_slice %get3A_49 {offsets = [7], sizes = [1], strides = [1]} : vector<16xf32> to vector<1xf32>
      %squeeze3A_197 = vector.extract %slice3A_196[0] : f32 from vector<1xf32>
      %add3A_198 = arith.addf %squeeze3A_195, %squeeze3A_197 : f32
      %max3A_199 = arith.constant 0.000000e+00 : f32
      %max3A_200 = arith.maximumf %add3A_198, %max3A_199 : f32
      %add3A_201 = arith.addf %add3A_189, %max3A_200 : f32
      scf.yield %add3A_201 : f32
    }
    %scan3A_21 = arith.constant 32 : i32
    %broadcast_in_dim3A_22 = arith.constant 3.000000e+38 : f32
    %broadcast_in_dim3A_23 = vector.broadcast %broadcast_in_dim3A_22 : f32 to vector<16xf32>
    %scan3A_24 = arith.constant 0.000000e+00 : f32
    %scan3A_25 = arith.constant 0 : i32
    %scan3A_26 = arith.constant 32 : i32
    %scan3A_27 = arith.addi %scan3A_25, %scan3A_26 : i32
    %scan3A_28 = arith.constant 1 : i32
    %scan3A_29 = scf.for %scan3A_38 = %scan3A_25 to %scan3A_27 step %scan3A_28 iter_args(%scan3A_39 = %scan3A_24) -> (f32)  : i32 {
      %mul3A_40 = arith.constant 8 : i32
      %mul3A_41 = arith.muli %scan3A_38, %mul3A_40 : i32
      %add3A_42 = arith.addi %mul3A_13, %mul3A_41 : i32
      %get3A = arith.index_cast %add3A_42 : i32 to index
      %get3A_43 = tpu.vector_load %arg18[%get3A] {strides = array<i32>} : memref<8192xf32, #tpu.memory_space<vmem>>, vector<16xf32>,
      %get3A_44 = arith.index_cast %add3A_42 : i32 to index
      %get3A_45 = tpu.vector_load %arg19[%get3A_44] {strides = array<i32>} : memref<8192xf32, #tpu.memory_space<vmem>>, vector<16xf32>,
      %get3A_46 = arith.index_cast %add3A_42 : i32 to index
      %get3A_47 = tpu.vector_load %arg20[%get3A_46] {strides = array<i32>} : memref<8192xf32, #tpu.memory_space<vmem>>, vector<16xf32>,
      %get3A_48 = arith.index_cast %add3A_42 : i32 to index
      %get3A_49 = tpu.vector_load %arg22[%get3A_48] {strides = array<i32>} : memref<8192xf32, #tpu.memory_space<vmem>>, vector<16xf32>,
      %mul3A_50 = arith.constant -2.000000e+00 : f32
      %mul3A_51 = vector.broadcast %mul3A_50 : f32 to vector<16xf32>
      %mul3A_52 = arith.mulf %get3A_43, %mul3A_51 : vector<16xf32>
      %mul3A_53 = arith.constant -2.000000e+00 : f32
      %mul3A_54 = vector.broadcast %mul3A_53 : f32 to vector<16xf32>
      %mul3A_55 = arith.mulf %get3A_45, %mul3A_54 : vector<16xf32>
      %mul3A_56 = arith.constant -2.000000e+00 : f32
      %mul3A_57 = vector.broadcast %mul3A_56 : f32 to vector<16xf32>
      %mul3A_58 = arith.mulf %get3A_47, %mul3A_57 : vector<16xf32>
      %slice3A = vector.extract_strided_slice %mul3A_52 {offsets = [0], sizes = [1], strides = [1]} : vector<16xf32> to vector<1xf32>
      %squeeze3A = vector.extract %slice3A[0] : f32 from vector<1xf32>
      %slice3A_59 = vector.extract_strided_slice %mul3A_55 {offsets = [0], sizes = [1], strides = [1]} : vector<16xf32> to vector<1xf32>
      %squeeze3A_60 = vector.extract %slice3A_59[0] : f32 from vector<1xf32>
      %slice3A_61 = vector.extract_strided_slice %mul3A_58 {offsets = [0], sizes = [1], strides = [1]} : vector<16xf32> to vector<1xf32>
      %squeeze3A_62 = vector.extract %slice3A_61[0] : f32 from vector<1xf32>
      %slice3A_63 = vector.extract_strided_slice %mul3A_52 {offsets = [1], sizes = [1], strides = [1]} : vector<16xf32> to vector<1xf32>
      %squeeze3A_64 = vector.extract %slice3A_63[0] : f32 from vector<1xf32>
      %slice3A_65 = vector.extract_strided_slice %mul3A_55 {offsets = [1], sizes = [1], strides = [1]} : vector<16xf32> to vector<1xf32>
      %squeeze3A_66 = vector.extract %slice3A_65[0] : f32 from vector<1xf32>
      %slice3A_67 = vector.extract_strided_slice %mul3A_58 {offsets = [1], sizes = [1], strides = [1]} : vector<16xf32> to vector<1xf32>
      %squeeze3A_68 = vector.extract %slice3A_67[0] : f32 from vector<1xf32>
      %slice3A_69 = vector.extract_strided_slice %mul3A_52 {offsets = [2], sizes = [1], strides = [1]} : vector<16xf32> to vector<1xf32>
      %squeeze3A_70 = vector.extract %slice3A_69[0] : f32 from vector<1xf32>
      %slice3A_71 = vector.extract_strided_slice %mul3A_55 {offsets = [2], sizes = [1], strides = [1]} : vector<16xf32> to vector<1xf32>
      %squeeze3A_72 = vector.extract %slice3A_71[0] : f32 from vector<1xf32>
      %slice3A_73 = vector.extract_strided_slice %mul3A_58 {offsets = [2], sizes = [1], strides = [1]} : vector<16xf32> to vector<1xf32>
      %squeeze3A_74 = vector.extract %slice3A_73[0] : f32 from vector<1xf32>
      %slice3A_75 = vector.extract_strided_slice %mul3A_52 {offsets = [3], sizes = [1], strides = [1]} : vector<16xf32> to vector<1xf32>
      %squeeze3A_76 = vector.extract %slice3A_75[0] : f32 from vector<1xf32>
      %slice3A_77 = vector.extract_strided_slice %mul3A_55 {offsets = [3], sizes = [1], strides = [1]} : vector<16xf32> to vector<1xf32>
      %squeeze3A_78 = vector.extract %slice3A_77[0] : f32 from vector<1xf32>
      %slice3A_79 = vector.extract_strided_slice %mul3A_58 {offsets = [3], sizes = [1], strides = [1]} : vector<16xf32> to vector<1xf32>
      %squeeze3A_80 = vector.extract %slice3A_79[0] : f32 from vector<1xf32>
      %slice3A_81 = vector.extract_strided_slice %mul3A_52 {offsets = [4], sizes = [1], strides = [1]} : vector<16xf32> to vector<1xf32>
      %squeeze3A_82 = vector.extract %slice3A_81[0] : f32 from vector<1xf32>
      %slice3A_83 = vector.extract_strided_slice %mul3A_55 {offsets = [4], sizes = [1], strides = [1]} : vector<16xf32> to vector<1xf32>
      %squeeze3A_84 = vector.extract %slice3A_83[0] : f32 from vector<1xf32>
      %slice3A_85 = vector.extract_strided_slice %mul3A_58 {offsets = [4], sizes = [1], strides = [1]} : vector<16xf32> to vector<1xf32>
      %squeeze3A_86 = vector.extract %slice3A_85[0] : f32 from vector<1xf32>
      %slice3A_87 = vector.extract_strided_slice %mul3A_52 {offsets = [5], sizes = [1], strides = [1]} : vector<16xf32> to vector<1xf32>
      %squeeze3A_88 = vector.extract %slice3A_87[0] : f32 from vector<1xf32>
      %slice3A_89 = vector.extract_strided_slice %mul3A_55 {offsets = [5], sizes = [1], strides = [1]} : vector<16xf32> to vector<1xf32>
      %squeeze3A_90 = vector.extract %slice3A_89[0] : f32 from vector<1xf32>
      %slice3A_91 = vector.extract_strided_slice %mul3A_58 {offsets = [5], sizes = [1], strides = [1]} : vector<16xf32> to vector<1xf32>
      %squeeze3A_92 = vector.extract %slice3A_91[0] : f32 from vector<1xf32>
      %slice3A_93 = vector.extract_strided_slice %mul3A_52 {offsets = [6], sizes = [1], strides = [1]} : vector<16xf32> to vector<1xf32>
      %squeeze3A_94 = vector.extract %slice3A_93[0] : f32 from vector<1xf32>
      %slice3A_95 = vector.extract_strided_slice %mul3A_55 {offsets = [6], sizes = [1], strides = [1]} : vector<16xf32> to vector<1xf32>
      %squeeze3A_96 = vector.extract %slice3A_95[0] : f32 from vector<1xf32>
      %slice3A_97 = vector.extract_strided_slice %mul3A_58 {offsets = [6], sizes = [1], strides = [1]} : vector<16xf32> to vector<1xf32>
      %squeeze3A_98 = vector.extract %slice3A_97[0] : f32 from vector<1xf32>
      %slice3A_99 = vector.extract_strided_slice %mul3A_52 {offsets = [7], sizes = [1], strides = [1]} : vector<16xf32> to vector<1xf32>
      %squeeze3A_100 = vector.extract %slice3A_99[0] : f32 from vector<1xf32>
      %slice3A_101 = vector.extract_strided_slice %mul3A_55 {offsets = [7], sizes = [1], strides = [1]} : vector<16xf32> to vector<1xf32>
      %squeeze3A_102 = vector.extract %slice3A_101[0] : f32 from vector<1xf32>
      %slice3A_103 = vector.extract_strided_slice %mul3A_58 {offsets = [7], sizes = [1], strides = [1]} : vector<16xf32> to vector<1xf32>
      %squeeze3A_104 = vector.extract %slice3A_103[0] : f32 from vector<1xf32>
      %parallel_loop3A = arith.constant 0 : i32
      %parallel_loop3A_105 = arith.constant 8192 : i32
      %parallel_loop3A_106 = arith.constant 16 : i32
      %parallel_loop3A_107:8 = scf.for %parallel_loop3A_202 = %parallel_loop3A to %parallel_loop3A_105 step %parallel_loop3A_106 iter_args(%parallel_loop3A_203 = %broadcast_in_dim3A_23, %parallel_loop3A_204 = %broadcast_in_dim3A_23, %parallel_loop3A_205 = %broadcast_in_dim3A_23, %parallel_loop3A_206 = %broadcast_in_dim3A_23, %parallel_loop3A_207 = %broadcast_in_dim3A_23, %parallel_loop3A_208 = %broadcast_in_dim3A_23, %parallel_loop3A_209 = %broadcast_in_dim3A_23, %parallel_loop3A_210 = %broadcast_in_dim3A_23) -> (vector<16xf32>, vector<16xf32>, vector<16xf32>, vector<16xf32>, vector<16xf32>, vector<16xf32>, vector<16xf32>, vector<16xf32>)  : i32 {
        %parallel_loop3A_211 = arith.index_cast %parallel_loop3A_202 : i32 to index
        %parallel_loop3A_212 = tpu.vector_load %arg15[%parallel_loop3A_211] {strides = array<i32>} : memref<8192xf32, #tpu.memory_space<vmem>>, vector<16xf32>,
        %parallel_loop3A_213 = arith.index_cast %parallel_loop3A_202 : i32 to index
        %parallel_loop3A_214 = tpu.vector_load %arg16[%parallel_loop3A_213] {strides = array<i32>} : memref<8192xf32, #tpu.memory_space<vmem>>, vector<16xf32>,
        %parallel_loop3A_215 = arith.index_cast %parallel_loop3A_202 : i32 to index
        %parallel_loop3A_216 = tpu.vector_load %arg17[%parallel_loop3A_215] {strides = array<i32>} : memref<8192xf32, #tpu.memory_space<vmem>>, vector<16xf32>,
        %parallel_loop3A_217 = arith.index_cast %parallel_loop3A_202 : i32 to index
        %parallel_loop3A_218 = tpu.vector_load %arg21[%parallel_loop3A_217] {strides = array<i32>} : memref<8192xf32, #tpu.memory_space<vmem>>, vector<16xf32>,
        %parallel_loop3A_219 = vector.broadcast %squeeze3A : f32 to vector<16xf32>
        %parallel_loop3A_220 = arith.mulf %parallel_loop3A_212, %parallel_loop3A_219 : vector<16xf32>
        %parallel_loop3A_221 = arith.addf %parallel_loop3A_218, %parallel_loop3A_220 : vector<16xf32>
        %parallel_loop3A_222 = vector.broadcast %squeeze3A_60 : f32 to vector<16xf32>
        %parallel_loop3A_223 = arith.mulf %parallel_loop3A_214, %parallel_loop3A_222 : vector<16xf32>
        %parallel_loop3A_224 = vector.broadcast %squeeze3A_62 : f32 to vector<16xf32>
        %parallel_loop3A_225 = arith.mulf %parallel_loop3A_216, %parallel_loop3A_224 : vector<16xf32>
        %parallel_loop3A_226 = arith.addf %parallel_loop3A_223, %parallel_loop3A_225 : vector<16xf32>
        %parallel_loop3A_227 = arith.addf %parallel_loop3A_221, %parallel_loop3A_226 : vector<16xf32>
        %parallel_loop3A_228 = arith.minimumf %parallel_loop3A_203, %parallel_loop3A_227 : vector<16xf32>
        %parallel_loop3A_229 = vector.broadcast %squeeze3A_64 : f32 to vector<16xf32>
        %parallel_loop3A_230 = arith.mulf %parallel_loop3A_212, %parallel_loop3A_229 : vector<16xf32>
        %parallel_loop3A_231 = arith.addf %parallel_loop3A_218, %parallel_loop3A_230 : vector<16xf32>
        %parallel_loop3A_232 = vector.broadcast %squeeze3A_66 : f32 to vector<16xf32>
        %parallel_loop3A_233 = arith.mulf %parallel_loop3A_214, %parallel_loop3A_232 : vector<16xf32>
        %parallel_loop3A_234 = vector.broadcast %squeeze3A_68 : f32 to vector<16xf32>
        %parallel_loop3A_235 = arith.mulf %parallel_loop3A_216, %parallel_loop3A_234 : vector<16xf32>
        %parallel_loop3A_236 = arith.addf %parallel_loop3A_233, %parallel_loop3A_235 : vector<16xf32>
        %parallel_loop3A_237 = arith.addf %parallel_loop3A_231, %parallel_loop3A_236 : vector<16xf32>
        %parallel_loop3A_238 = arith.minimumf %parallel_loop3A_204, %parallel_loop3A_237 : vector<16xf32>
        %parallel_loop3A_239 = vector.broadcast %squeeze3A_70 : f32 to vector<16xf32>
        %parallel_loop3A_240 = arith.mulf %parallel_loop3A_212, %parallel_loop3A_239 : vector<16xf32>
        %parallel_loop3A_241 = arith.addf %parallel_loop3A_218, %parallel_loop3A_240 : vector<16xf32>
        %parallel_loop3A_242 = vector.broadcast %squeeze3A_72 : f32 to vector<16xf32>
        %parallel_loop3A_243 = arith.mulf %parallel_loop3A_214, %parallel_loop3A_242 : vector<16xf32>
        %parallel_loop3A_244 = vector.broadcast %squeeze3A_74 : f32 to vector<16xf32>
        %parallel_loop3A_245 = arith.mulf %parallel_loop3A_216, %parallel_loop3A_244 : vector<16xf32>
        %parallel_loop3A_246 = arith.addf %parallel_loop3A_243, %parallel_loop3A_245 : vector<16xf32>
        %parallel_loop3A_247 = arith.addf %parallel_loop3A_241, %parallel_loop3A_246 : vector<16xf32>
        %parallel_loop3A_248 = arith.minimumf %parallel_loop3A_205, %parallel_loop3A_247 : vector<16xf32>
        %parallel_loop3A_249 = vector.broadcast %squeeze3A_76 : f32 to vector<16xf32>
        %parallel_loop3A_250 = arith.mulf %parallel_loop3A_212, %parallel_loop3A_249 : vector<16xf32>
        %parallel_loop3A_251 = arith.addf %parallel_loop3A_218, %parallel_loop3A_250 : vector<16xf32>
        %parallel_loop3A_252 = vector.broadcast %squeeze3A_78 : f32 to vector<16xf32>
        %parallel_loop3A_253 = arith.mulf %parallel_loop3A_214, %parallel_loop3A_252 : vector<16xf32>
        %parallel_loop3A_254 = vector.broadcast %squeeze3A_80 : f32 to vector<16xf32>
        %parallel_loop3A_255 = arith.mulf %parallel_loop3A_216, %parallel_loop3A_254 : vector<16xf32>
        %parallel_loop3A_256 = arith.addf %parallel_loop3A_253, %parallel_loop3A_255 : vector<16xf32>
        %parallel_loop3A_257 = arith.addf %parallel_loop3A_251, %parallel_loop3A_256 : vector<16xf32>
        %parallel_loop3A_258 = arith.minimumf %parallel_loop3A_206, %parallel_loop3A_257 : vector<16xf32>
        %parallel_loop3A_259 = vector.broadcast %squeeze3A_82 : f32 to vector<16xf32>
        %parallel_loop3A_260 = arith.mulf %parallel_loop3A_212, %parallel_loop3A_259 : vector<16xf32>
        %parallel_loop3A_261 = arith.addf %parallel_loop3A_218, %parallel_loop3A_260 : vector<16xf32>
        %parallel_loop3A_262 = vector.broadcast %squeeze3A_84 : f32 to vector<16xf32>
        %parallel_loop3A_263 = arith.mulf %parallel_loop3A_214, %parallel_loop3A_262 : vector<16xf32>
        %parallel_loop3A_264 = vector.broadcast %squeeze3A_86 : f32 to vector<16xf32>
        %parallel_loop3A_265 = arith.mulf %parallel_loop3A_216, %parallel_loop3A_264 : vector<16xf32>
        %parallel_loop3A_266 = arith.addf %parallel_loop3A_263, %parallel_loop3A_265 : vector<16xf32>
        %parallel_loop3A_267 = arith.addf %parallel_loop3A_261, %parallel_loop3A_266 : vector<16xf32>
        %parallel_loop3A_268 = arith.minimumf %parallel_loop3A_207, %parallel_loop3A_267 : vector<16xf32>
        %parallel_loop3A_269 = vector.broadcast %squeeze3A_88 : f32 to vector<16xf32>
        %parallel_loop3A_270 = arith.mulf %parallel_loop3A_212, %parallel_loop3A_269 : vector<16xf32>
        %parallel_loop3A_271 = arith.addf %parallel_loop3A_218, %parallel_loop3A_270 : vector<16xf32>
        %parallel_loop3A_272 = vector.broadcast %squeeze3A_90 : f32 to vector<16xf32>
        %parallel_loop3A_273 = arith.mulf %parallel_loop3A_214, %parallel_loop3A_272 : vector<16xf32>
        %parallel_loop3A_274 = vector.broadcast %squeeze3A_92 : f32 to vector<16xf32>
        %parallel_loop3A_275 = arith.mulf %parallel_loop3A_216, %parallel_loop3A_274 : vector<16xf32>
        %parallel_loop3A_276 = arith.addf %parallel_loop3A_273, %parallel_loop3A_275 : vector<16xf32>
        %parallel_loop3A_277 = arith.addf %parallel_loop3A_271, %parallel_loop3A_276 : vector<16xf32>
        %parallel_loop3A_278 = arith.minimumf %parallel_loop3A_208, %parallel_loop3A_277 : vector<16xf32>
        %parallel_loop3A_279 = vector.broadcast %squeeze3A_94 : f32 to vector<16xf32>
        %parallel_loop3A_280 = arith.mulf %parallel_loop3A_212, %parallel_loop3A_279 : vector<16xf32>
        %parallel_loop3A_281 = arith.addf %parallel_loop3A_218, %parallel_loop3A_280 : vector<16xf32>
        %parallel_loop3A_282 = vector.broadcast %squeeze3A_96 : f32 to vector<16xf32>
        %parallel_loop3A_283 = arith.mulf %parallel_loop3A_214, %parallel_loop3A_282 : vector<16xf32>
        %parallel_loop3A_284 = vector.broadcast %squeeze3A_98 : f32 to vector<16xf32>
        %parallel_loop3A_285 = arith.mulf %parallel_loop3A_216, %parallel_loop3A_284 : vector<16xf32>
        %parallel_loop3A_286 = arith.addf %parallel_loop3A_283, %parallel_loop3A_285 : vector<16xf32>
        %parallel_loop3A_287 = arith.addf %parallel_loop3A_281, %parallel_loop3A_286 : vector<16xf32>
        %parallel_loop3A_288 = arith.minimumf %parallel_loop3A_209, %parallel_loop3A_287 : vector<16xf32>
        %parallel_loop3A_289 = vector.broadcast %squeeze3A_100 : f32 to vector<16xf32>
        %parallel_loop3A_290 = arith.mulf %parallel_loop3A_212, %parallel_loop3A_289 : vector<16xf32>
        %parallel_loop3A_291 = arith.addf %parallel_loop3A_218, %parallel_loop3A_290 : vector<16xf32>
        %parallel_loop3A_292 = vector.broadcast %squeeze3A_102 : f32 to vector<16xf32>
        %parallel_loop3A_293 = arith.mulf %parallel_loop3A_214, %parallel_loop3A_292 : vector<16xf32>
        %parallel_loop3A_294 = vector.broadcast %squeeze3A_104 : f32 to vector<16xf32>
        %parallel_loop3A_295 = arith.mulf %parallel_loop3A_216, %parallel_loop3A_294 : vector<16xf32>
        %parallel_loop3A_296 = arith.addf %parallel_loop3A_293, %parallel_loop3A_295 : vector<16xf32>
        %parallel_loop3A_297 = arith.addf %parallel_loop3A_291, %parallel_loop3A_296 : vector<16xf32>
        %parallel_loop3A_298 = arith.minimumf %parallel_loop3A_210, %parallel_loop3A_297 : vector<16xf32>
        scf.yield %parallel_loop3A_228, %parallel_loop3A_238, %parallel_loop3A_248, %parallel_loop3A_258, %parallel_loop3A_268, %parallel_loop3A_278, %parallel_loop3A_288, %parallel_loop3A_298 : vector<16xf32>, vector<16xf32>, vector<16xf32>, vector<16xf32>, vector<16xf32>, vector<16xf32>, vector<16xf32>, vector<16xf32>
      } {sc.loop_unroll_factor = 2 : i64, sc.parallel_access}
      %masked_sort3A = arith.constant dense<true> : vector<16xi1>
      %masked_sort3A_108, %masked_sort3A_109, %masked_sort3A_110 = tpu.sort %parallel_loop3A_107#0, %parallel_loop3A_107#0 masked %masked_sort3A : (vector<16xf32>, vector<16xf32>, vector<16xi1>) -> (vector<16xi1>, vector<16xf32>, vector<16xf32>)
      %slice3A_111 = vector.extract_strided_slice %masked_sort3A_109 {offsets = [0], sizes = [1], strides = [1]} : vector<16xf32> to vector<1xf32>
      %squeeze3A_112 = vector.extract %slice3A_111[0] : f32 from vector<1xf32>
      %slice3A_113 = vector.extract_strided_slice %get3A_49 {offsets = [0], sizes = [1], strides = [1]} : vector<16xf32> to vector<1xf32>
      %squeeze3A_114 = vector.extract %slice3A_113[0] : f32 from vector<1xf32>
      %add3A_115 = arith.addf %squeeze3A_112, %squeeze3A_114 : f32
      %max3A = arith.constant 0.000000e+00 : f32
      %max3A_116 = arith.maximumf %add3A_115, %max3A : f32
      %add3A_117 = arith.addf %scan3A_39, %max3A_116 : f32
      %masked_sort3A_118 = arith.constant dense<true> : vector<16xi1>
      %masked_sort3A_119, %masked_sort3A_120, %masked_sort3A_121 = tpu.sort %parallel_loop3A_107#1, %parallel_loop3A_107#1 masked %masked_sort3A_118 : (vector<16xf32>, vector<16xf32>, vector<16xi1>) -> (vector<16xi1>, vector<16xf32>, vector<16xf32>)
      %slice3A_122 = vector.extract_strided_slice %masked_sort3A_120 {offsets = [0], sizes = [1], strides = [1]} : vector<16xf32> to vector<1xf32>
      %squeeze3A_123 = vector.extract %slice3A_122[0] : f32 from vector<1xf32>
      %slice3A_124 = vector.extract_strided_slice %get3A_49 {offsets = [1], sizes = [1], strides = [1]} : vector<16xf32> to vector<1xf32>
      %squeeze3A_125 = vector.extract %slice3A_124[0] : f32 from vector<1xf32>
      %add3A_126 = arith.addf %squeeze3A_123, %squeeze3A_125 : f32
      %max3A_127 = arith.constant 0.000000e+00 : f32
      %max3A_128 = arith.maximumf %add3A_126, %max3A_127 : f32
      %add3A_129 = arith.addf %add3A_117, %max3A_128 : f32
      %masked_sort3A_130 = arith.constant dense<true> : vector<16xi1>
      %masked_sort3A_131, %masked_sort3A_132, %masked_sort3A_133 = tpu.sort %parallel_loop3A_107#2, %parallel_loop3A_107#2 masked %masked_sort3A_130 : (vector<16xf32>, vector<16xf32>, vector<16xi1>) -> (vector<16xi1>, vector<16xf32>, vector<16xf32>)
      %slice3A_134 = vector.extract_strided_slice %masked_sort3A_132 {offsets = [0], sizes = [1], strides = [1]} : vector<16xf32> to vector<1xf32>
      %squeeze3A_135 = vector.extract %slice3A_134[0] : f32 from vector<1xf32>
      %slice3A_136 = vector.extract_strided_slice %get3A_49 {offsets = [2], sizes = [1], strides = [1]} : vector<16xf32> to vector<1xf32>
      %squeeze3A_137 = vector.extract %slice3A_136[0] : f32 from vector<1xf32>
      %add3A_138 = arith.addf %squeeze3A_135, %squeeze3A_137 : f32
      %max3A_139 = arith.constant 0.000000e+00 : f32
      %max3A_140 = arith.maximumf %add3A_138, %max3A_139 : f32
      %add3A_141 = arith.addf %add3A_129, %max3A_140 : f32
      %masked_sort3A_142 = arith.constant dense<true> : vector<16xi1>
      %masked_sort3A_143, %masked_sort3A_144, %masked_sort3A_145 = tpu.sort %parallel_loop3A_107#3, %parallel_loop3A_107#3 masked %masked_sort3A_142 : (vector<16xf32>, vector<16xf32>, vector<16xi1>) -> (vector<16xi1>, vector<16xf32>, vector<16xf32>)
      %slice3A_146 = vector.extract_strided_slice %masked_sort3A_144 {offsets = [0], sizes = [1], strides = [1]} : vector<16xf32> to vector<1xf32>
      %squeeze3A_147 = vector.extract %slice3A_146[0] : f32 from vector<1xf32>
      %slice3A_148 = vector.extract_strided_slice %get3A_49 {offsets = [3], sizes = [1], strides = [1]} : vector<16xf32> to vector<1xf32>
      %squeeze3A_149 = vector.extract %slice3A_148[0] : f32 from vector<1xf32>
      %add3A_150 = arith.addf %squeeze3A_147, %squeeze3A_149 : f32
      %max3A_151 = arith.constant 0.000000e+00 : f32
      %max3A_152 = arith.maximumf %add3A_150, %max3A_151 : f32
      %add3A_153 = arith.addf %add3A_141, %max3A_152 : f32
      %masked_sort3A_154 = arith.constant dense<true> : vector<16xi1>
      %masked_sort3A_155, %masked_sort3A_156, %masked_sort3A_157 = tpu.sort %parallel_loop3A_107#4, %parallel_loop3A_107#4 masked %masked_sort3A_154 : (vector<16xf32>, vector<16xf32>, vector<16xi1>) -> (vector<16xi1>, vector<16xf32>, vector<16xf32>)
      %slice3A_158 = vector.extract_strided_slice %masked_sort3A_156 {offsets = [0], sizes = [1], strides = [1]} : vector<16xf32> to vector<1xf32>
      %squeeze3A_159 = vector.extract %slice3A_158[0] : f32 from vector<1xf32>
      %slice3A_160 = vector.extract_strided_slice %get3A_49 {offsets = [4], sizes = [1], strides = [1]} : vector<16xf32> to vector<1xf32>
      %squeeze3A_161 = vector.extract %slice3A_160[0] : f32 from vector<1xf32>
      %add3A_162 = arith.addf %squeeze3A_159, %squeeze3A_161 : f32
      %max3A_163 = arith.constant 0.000000e+00 : f32
      %max3A_164 = arith.maximumf %add3A_162, %max3A_163 : f32
      %add3A_165 = arith.addf %add3A_153, %max3A_164 : f32
      %masked_sort3A_166 = arith.constant dense<true> : vector<16xi1>
      %masked_sort3A_167, %masked_sort3A_168, %masked_sort3A_169 = tpu.sort %parallel_loop3A_107#5, %parallel_loop3A_107#5 masked %masked_sort3A_166 : (vector<16xf32>, vector<16xf32>, vector<16xi1>) -> (vector<16xi1>, vector<16xf32>, vector<16xf32>)
      %slice3A_170 = vector.extract_strided_slice %masked_sort3A_168 {offsets = [0], sizes = [1], strides = [1]} : vector<16xf32> to vector<1xf32>
      %squeeze3A_171 = vector.extract %slice3A_170[0] : f32 from vector<1xf32>
      %slice3A_172 = vector.extract_strided_slice %get3A_49 {offsets = [5], sizes = [1], strides = [1]} : vector<16xf32> to vector<1xf32>
      %squeeze3A_173 = vector.extract %slice3A_172[0] : f32 from vector<1xf32>
      %add3A_174 = arith.addf %squeeze3A_171, %squeeze3A_173 : f32
      %max3A_175 = arith.constant 0.000000e+00 : f32
      %max3A_176 = arith.maximumf %add3A_174, %max3A_175 : f32
      %add3A_177 = arith.addf %add3A_165, %max3A_176 : f32
      %masked_sort3A_178 = arith.constant dense<true> : vector<16xi1>
      %masked_sort3A_179, %masked_sort3A_180, %masked_sort3A_181 = tpu.sort %parallel_loop3A_107#6, %parallel_loop3A_107#6 masked %masked_sort3A_178 : (vector<16xf32>, vector<16xf32>, vector<16xi1>) -> (vector<16xi1>, vector<16xf32>, vector<16xf32>)
      %slice3A_182 = vector.extract_strided_slice %masked_sort3A_180 {offsets = [0], sizes = [1], strides = [1]} : vector<16xf32> to vector<1xf32>
      %squeeze3A_183 = vector.extract %slice3A_182[0] : f32 from vector<1xf32>
      %slice3A_184 = vector.extract_strided_slice %get3A_49 {offsets = [6], sizes = [1], strides = [1]} : vector<16xf32> to vector<1xf32>
      %squeeze3A_185 = vector.extract %slice3A_184[0] : f32 from vector<1xf32>
      %add3A_186 = arith.addf %squeeze3A_183, %squeeze3A_185 : f32
      %max3A_187 = arith.constant 0.000000e+00 : f32
      %max3A_188 = arith.maximumf %add3A_186, %max3A_187 : f32
      %add3A_189 = arith.addf %add3A_177, %max3A_188 : f32
      %masked_sort3A_190 = arith.constant dense<true> : vector<16xi1>
      %masked_sort3A_191, %masked_sort3A_192, %masked_sort3A_193 = tpu.sort %parallel_loop3A_107#7, %parallel_loop3A_107#7 masked %masked_sort3A_190 : (vector<16xf32>, vector<16xf32>, vector<16xi1>) -> (vector<16xi1>, vector<16xf32>, vector<16xf32>)
      %slice3A_194 = vector.extract_strided_slice %masked_sort3A_192 {offsets = [0], sizes = [1], strides = [1]} : vector<16xf32> to vector<1xf32>
      %squeeze3A_195 = vector.extract %slice3A_194[0] : f32 from vector<1xf32>
      %slice3A_196 = vector.extract_strided_slice %get3A_49 {offsets = [7], sizes = [1], strides = [1]} : vector<16xf32> to vector<1xf32>
      %squeeze3A_197 = vector.extract %slice3A_196[0] : f32 from vector<1xf32>
      %add3A_198 = arith.addf %squeeze3A_195, %squeeze3A_197 : f32
      %max3A_199 = arith.constant 0.000000e+00 : f32
      %max3A_200 = arith.maximumf %add3A_198, %max3A_199 : f32
      %add3A_201 = arith.addf %add3A_189, %max3A_200 : f32
      scf.yield %add3A_201 : f32
    }
    %scan3A_30 = arith.constant 32 : i32
    %add3A_31 = arith.addf %scan3A_20, %scan3A_29 : f32
    %mul3A_32 = arith.constant 6.250000e-02 : f32
    %mul3A_33 = arith.mulf %add3A_31, %mul3A_32 : f32
    %broadcast_in_dim3A_34 = vector.broadcast %mul3A_33 : f32 to vector<16xf32>
    %swap3A = arith.constant 0 : index
    %swap3A_35 = tpu.vector_load %arg23[%swap3A] {strides = array<i32>} : memref<16xf32, #tpu.memory_space<vmem>>, vector<16xf32>,
    tpu.vector_store %arg23[%swap3A], %broadcast_in_dim3A_34 {strides = array<i32>} : memref<16xf32, #tpu.memory_space<vmem>>, vector<16xf32>,
    %mul3A_36 = arith.constant 16 : i32
    %mul3A_37 = arith.muli %add3A, %mul3A_36 : i32
    "tpu.region"() ({
      %run_scoped3A = tpu.sem_alloc : memref<!tpu.dma_semaphore, #tpu.memory_space<semaphore_mem>>
      %dma_start3A = tpu.memref_slice %arg8[%mul3A_37] : memref<512xf32, #tpu.memory_space<hbm>> -> memref<16xf32, #tpu.memory_space<hbm>>
      %dma_start3A_38 = tpu.memref_slice %arg8[%mul3A_37] : memref<512xf32, #tpu.memory_space<hbm>> -> memref<16xf32, #tpu.memory_space<hbm>>
      tpu.enqueue_dma source(%arg23 : memref<16xf32, #tpu.memory_space<vmem>>) target(%dma_start3A_38 : memref<16xf32, #tpu.memory_space<hbm>>) target_semaphore(%run_scoped3A : memref<!tpu.dma_semaphore, #tpu.memory_space<semaphore_mem>>)
      %dma_wait3A = tpu.memref_slice %arg8[%mul3A_37] : memref<512xf32, #tpu.memory_space<hbm>> -> memref<16xf32, #tpu.memory_space<hbm>>
      %dma_wait3A_39 = tpu.memref_slice %arg8[%mul3A_37] : memref<512xf32, #tpu.memory_space<hbm>> -> memref<16xf32, #tpu.memory_space<hbm>>
      tpu.wait_dma2 semaphore(%run_scoped3A : memref<!tpu.dma_semaphore, #tpu.memory_space<semaphore_mem>>) src(%arg23 : memref<16xf32, #tpu.memory_space<vmem>>) dst(%dma_wait3A_39 : memref<16xf32, #tpu.memory_space<hbm>>)
      tpu.yield
    }) : () -> ()
    return
  }
}

</mosaic_0001>

<sc_bundles>
// kernel: kernel.3.cloned.1.call-start
scs
__scs_entry_jumppad:
0x0: {  	(pc) =	sbr.rel $0x88, $3  }
0x1: {  	(tag) =	ssettag $0x0;
	lr =	simm.s32 $0x1  }
0x2: {  	[smem:$0x3F9F] =	sst lr;
	_ =	strace $0xD0000000  }
0x3: {  	_ = 	snop  }
0x4: {  	_ = 	snop  }
0x5: {  	_ = 	snop  }
0x6: {  	_ = 	snop  }
0x7: {  	_ = 	snop  }
__scs_overlays_trampoline_lowered:
0x8: {  	[smem:$0x3FAE] =	sst s0  }
0x9: {  	[smem:$0x3FAF] =	sst s1  }
0xa: {  	[smem:$0x3FB0] =	sst s2  }
0xb: {  	[smem:$0x3FB1] =	sst s3  }
0xc: {  	[smem:$0x3FB2] =	sst s4  }
0xd: {  	[smem:$0x3FB3] =	sst s5  }
0xe: {  	[smem:$0x3FB4] =	sst s6  }
0xf: {  	[smem:$0x3FB5] =	sst s7  }
0x10: {  	[smem:$0x3FB6] =	sst s8  }
0x11: {  	[smem:$0x3FB7] =	sst s9;
	s0 =	simm.s32 @!p0 $0x0  }
0x12: {  	s1 =	sld [smem:$0x3F9D];
	s0 =	simm.s32 @p0 $0x1  }
0x13: {  	[smem:$0x3FB8] =	sst s0;
	s0 =	simm.s32 @!p1 $0x0  }
0x14: {  	s2 =	sld [smem:$0x3F9C];
	s0 =	simm.s32 @p1 $0x1  }
0x15: {  	[smem:$0x3FB9] =	sst s0;
	s0 =	simm.s32 @!p2 $0x0  }
0x16: {  	s3 =	sld [smem:$0x3FDB];
	s0 =	simm.s32 @p2 $0x1  }
0x17: {  	s4 =	simm.s32 $0x1BF5;
	[smem:$0x3FBB] =	sst s0  }
0x18: {  	s0 =	sld [smem:$0x3F9E];
	_ =	swait.ge [sflag:s4], $0x0  }
0x19: {  	s7 =	sld [smem:$0x3F9F]  }
0x1a: {  	s8 =	sadd.s32 $0xFFFFE003, lr  }
0x1b: {  	s9 =	sadd.s32 $0xFFFFFEF7, lr;
	s5 =	simm.s32 $0xFFFFFFFF;
	p2 =	slt.u32 s8, $0xFFFFF086  }
0x1c: {  	p1 =	slt.u32 s9, $0xF7A;
	s5 =	simm.s32 @!p2 $0x0  }
0x1d: {  	s5 =	simm.s32 @p1 $0x1;
	p0 =	seq.s32 s7, s2  }
0x1e: {  	s7 =	smul.u32 @!p0 $0xF7A, s2;
	p2 =	seq.s32 @!p0 s5, $0x0  }
0x1f: {  	s9 =	smul.u32 $0xF7A, s1;
	s8 =	simm.s32 @!p0 $0x1BF5;
	p2 =	por !p2, p0  }
0x20: {  	[sflag:s8] =	ssyncset.s32 @!p0 $0xFFFFF086;
	s6 =	sadd.s32 @!p0 s3, s7;
	s7 =	simm.s32 @!p0 $0x108  }
0x21: {  	s3 =	sadd.s32 s3, s9;
	s6 =	sadd.s32 @!p0 $0x88, s6;
	s7 =	simm.s32 @p2 $0x1082  }
0x22: {  	[simem:s7], [sflag:s8] =	dma.local @!p0 [hbm:s6], $0xF7A  }
0x23: {  	s9 =	sor.u32 $0xD0000000, s2;
	s6 =	simm.s32 $0x108;
	_ =	swait.ge @!p0 [sflag:s8], $0x0  }
0x24: {  	s3 =	sadd.s32 $0x88, s3;
	s6 =	simm.s32 @!p1 $0x1082;
	[sflag:s4] =	ssyncset.s32 $0xFFFFF086  }
0x25: {  	[simem:s6], [sflag:s4] =	dma.local [hbm:s3], $0xF7A  }
0x26: {  	[smem:$0x3F9F] =	sst s1;
	(tag) =	ssettag s2;
	_ =	strace s9  }
0x27: {  	s1 =	sld [smem:$0x3FAF]  }
0x28: {  	s2 =	sld [smem:$0x3FB0]  }
0x29: {  	s4 =	sld [smem:$0x3FB2]  }
0x2a: {  	p0 =	seq.s32 s5, $0x0;
	s5 =	sld [smem:$0x3FB3]  }
0x2b: {  	s6 =	sld [smem:$0x3FB4]  }
0x2c: {  	s7 =	sld [smem:$0x3FB5]  }
0x2d: {  	s3 =	simm.s32 $0x108;
	s8 =	sld [smem:$0x3FB6]  }
0x2e: {  	s3 =	simm.s32 @!p0 $0x1082;
	s9 =	sld [smem:$0x3FB7]  }
0x2f: {  	lr =	sadd.s32 s0, s3;
	s0 =	sld [smem:$0x3FAE]  }
0x30: {  	s3 =	sld [smem:$0x3FB1]  }
0x31: {  	[smem:$0x3FBA] =	sst s10  }
0x32: {  	s10 =	sld [smem:$0x3FB8];
	_ =	sdelay $0x3  }
0x33: {  	p0 =	seq.s32 s10, $0x1;
	s10 =	sld [smem:$0x3FBA];
	_ =	sdelay $0x3  }
0x34: {  	[smem:$0x3FBA] =	sst s10  }
0x35: {  	s10 =	sld [smem:$0x3FB9];
	_ =	sdelay $0x3  }
0x36: {  	p1 =	seq.s32 s10, $0x1;
	s10 =	sld [smem:$0x3FBA];
	_ =	sdelay $0x3  }
0x37: {  	[smem:$0x3FBA] =	sst s10  }
0x38: {  	s10 =	sld [smem:$0x3FBB]  }
0x39: {  	_ = 	snop;
	(pc) =	sbr.ind lr, $3  }
0x3a: {  	_ = 	snop  }
0x3b: {  	_ = 	snop  }
0x3c: {  	p2 =	seq.s32 s10, $0x1;
	s10 =	sld [smem:$0x3FBA]  }
0x3d: {  	_ =	shalt  }
0x3e: {  	_ =	shalt  }
0x3f: {  	_ =	shalt  }
0x40: {  	_ =	shalt  }
0x41: {  	_ =	shalt  }
0x42: {  	_ =	shalt  }
0x43: {  	_ =	shalt  }
0x44: {  	_ =	shalt  }
0x45: {  	_ =	shalt  }
0x46: {  	_ =	shalt  }
0x47: {  	_ =	shalt  }
0x48: {  	_ =	shalt  }
0x49: {  	_ =	shalt  }
0x4a: {  	_ =	shalt  }
0x4b: {  	_ =	shalt  }
0x4c: {  	_ =	shalt  }
0x4d: {  	_ =	shalt  }
0x4e: {  	_ =	shalt  }
0x4f: {  	_ =	shalt  }
0x50: {  	_ =	shalt  }
0x51: {  	_ =	shalt  }
0x52: {  	_ =	shalt  }
0x53: {  	_ =	shalt  }
0x54: {  	_ =	shalt  }
0x55: {  	_ =	shalt  }
0x56: {  	_ =	shalt  }
0x57: {  	_ =	shalt  }
0x58: {  	_ =	shalt  }
0x59: {  	_ =	shalt  }
0x5a: {  	_ =	shalt  }
0x5b: {  	_ =	shalt  }
0x5c: {  	_ =	shalt  }
0x5d: {  	_ =	shalt  }
0x5e: {  	_ =	shalt  }
0x5f: {  	_ =	shalt  }
0x60: {  	_ =	shalt  }
0x61: {  	_ =	shalt  }
0x62: {  	_ =	shalt  }
0x63: {  	_ =	shalt  }
0x64: {  	_ =	shalt  }
0x65: {  	_ =	shalt  }
0x66: {  	_ =	shalt  }
0x67: {  	_ =	shalt  }
0x68: {  	_ =	shalt  }
0x69: {  	_ =	shalt  }
0x6a: {  	_ =	shalt  }
0x6b: {  	_ =	shalt  }
0x6c: {  	_ =	shalt  }
0x6d: {  	_ =	shalt  }
0x6e: {  	_ =	shalt  }
0x6f: {  	_ =	shalt  }
0x70: {  	_ =	shalt  }
0x71: {  	_ =	shalt  }
0x72: {  	_ =	shalt  }
0x73: {  	_ =	shalt  }
0x74: {  	_ =	shalt  }
0x75: {  	_ =	shalt  }
0x76: {  	_ =	shalt  }
0x77: {  	_ =	shalt  }
0x78: {  	_ =	shalt  }
0x79: {  	_ =	shalt  }
0x7a: {  	_ =	shalt  }
0x7b: {  	_ =	shalt  }
0x7c: {  	_ =	shalt  }
0x7d: {  	_ =	shalt  }
0x7e: {  	_ =	shalt  }
0x7f: {  	_ =	shalt  }
0x80: {  	_ =	shalt  }
0x81: {  	_ =	shalt  }
0x82: {  	_ =	shalt  }
0x83: {  	_ =	shalt  }
0x84: {  	_ =	shalt  }
0x85: {  	_ =	shalt  }
0x86: {  	_ =	shalt  }
0x87: {  	_ =	shalt  }
.Lfunc_end0:
.L_simem_size_0:
called_computation_lowered:
.L_overlay_start_0:
0x88: {  	s2 =	sld [smem:$0x3FD9]  }
0x89: {  	s3 =	sld [smem:$0x3FFE];
	_ =	sdelay $0x1  }
0x8a: {  	s1 =	srdreg.scid  }
0x8b: {  	s0 =	sand.u32 $0x1, s1  }
0x8c: {  	s16 =	sshll.u32 s0, $0xA;
	s2 =	sadd.s32 s3, s2  }
0x8d: {  	s2 =	sadd.s32 s2, s16  }
0x8e: {  	[smem:$0x3FC6] =	sst s2  }
0x8f: {  	_ = 	snop  }
0x90: {  	(tm) =	ssettm $0x1  }
0x91: {  	s17 =	sld [smem:$0x3FFB];
	_ =	sdelay $0x3  }
0x92: {  	_ =	strace s17  }
0x93: {  	s2 =	sld [smem:$0x3FFC];
	_ =	sdelay $0x3  }
0x94: {  	_ =	strace s2  }
0x95: {  	s2 =	sld [smem:$0x3FFD];
	_ =	sdelay $0x3  }
0x96: {  	_ =	strace s2  }
0x97: {  	_ =	strace $0x8FFFFFFF  }
0x98: {  	s18 =	sld [smem:$0x3FDB];
	_ =	sdelay $0x1  }
0x99: {  	s19 =	simm.s32 $_scs_section_size  }
0x9a: {  	s4 =	simm.s32 $_size__tile_overlayer_lowered;
	s5 =	simm.s32 $_tile_overlayer_lowered  }
0x9b: {  	s22 =	simm.s32 $0x1BFF;
	s21 =	sshll.u32 s5, $0x1;
	s2 =	sadd.s32 s19, s18  }
0x9c: {  	s6 =	simm.s32 $0x0;
	s20 =	sshll.u32 s4, $0x1;
	s4 =	sadd.s32 s21, s2  }
0x9d: {  	[timem:s6], [sflag:s22] =	dma.local [hbm:s4], s20  }
0x9e: {  	_ =	swait.ge [sflag:s22], s20  }
0x9f: {  	s3 =	ssub.s32 $0x0, s20;
	[sflag:s22] =	ssyncset.done $0x0  }
0xa0: {  	[sflag:s22] =	ssyncadd.s32 s3;
	_ =	sdelay $0x1  }
0xa1: {  	s23 =	simm.s32 $0x1B8B  }
0xa2: {  	_ =	swait.ge [sflag:s23], $0x1  }
0xa3: {  	[sflag:s23] =	ssyncset.done $0x0  }
0xa4: {  	s25 =	simm.s32 $0x1B8E;
	s24 =	sld [smem:$0x3FFE];
	[sflag:s23] =	ssyncadd.s32 $0xFFFFFFFF  }
0xa5: {  	s26 =	simm.s32 $execute0_lowered;
	[smem:$0x3FD2] =	sst s25  }
0xa6: {  	s4 =	sshll.u32 s26, $0x1;
	_ =	strace $0x80000046;
	[dreg:$0x1] =	wrdreg $0xFFFFFFFF  }
0xa7: {  	s28 =	simm.s32 $_size_execute0_lowered;
	s2 =	sadd.s32 s2, s4;
	[dreg:$0x0] =	wrdreg $0x0  }
0xa8: {  	s4 =	sshll.u32 s28, $0x1;
	[dreg:$0x2] =	wrdreg s2  }
0xa9: {  	[dreg:$0x3] =	wrdreg s4  }
0xaa: {  	[dreg:$0x4] =	wrdreg $0xC0  }
0xab: {  	_ =	task [dreg:s6], $0x5FFFF  }
0xac: {  	[dreg:$0x1] =	wrdreg $0xFFFFFFFF  }
0xad: {  	[dreg:$0x0] =	wrdreg $0x60  }
0xae: {  	[dreg:$0x2] =	wrdreg s24  }
0xaf: {  	[dreg:$0x3] =	wrdreg $0x9  }
0xb0: {  	_ =	task.clear_ibuf [dreg:s6], $0x4FFFF;
	_ =	strace $0x90000046  }
0xb1: {  	s29 =	simm.s32 $0x9;
	_ =	strace $0x80000048  }
0xb2: {  	_ =	swait.ge [sflag:s29], $0x1  }
0xb3: {  	[sflag:s29] =	ssyncadd.s32 $0xFFFFFFFF  }
0xb4: {  	_ =	strace $0x90000048  }
0xb5: {  	_ =	sfence  }
0xb6: {  	s30 =	sld [smem:$0x0];
	_ =	sdelay $0x2  }
0xb7: {  	s31 =	sshll.u32 s1, $0xD;
	s1 =	sshrl.u32 s1, $0x2  }
0xb8: {  	s3 =	sand.u32 $0x4000, s31;
	s1 =	sadd.s32 s1, s30  }
0xb9: {  	s0 =	sor.u32 s3, s0;
	s1 =	sshll.u32 s1, $0x11  }
0xba: {  	s0 =	sor.u32 s1, s0  }
0xbb: {  	s0 =	sadd.s32 $0x8F2B, s0  }
0xbc: {  	[sflag:s0] =	ssyncadd.remote.s32 $0x1  }
0xbd: {  	_ =	sfence.sel $0xFFFF  }
0xbe: {  	[dreg:$0x0] =	wrdreg $0xFFFFFFFF;
	(pc) =	sbr.abs _section_cstart, $3  }
0xbf: {  	[dreg:$0x1] =	wrdreg $0xFFFFFFFF  }
0xc0: {  	_ =	task.clear_ibuf [dreg:s6], $0x2FFFF;
	_ =	strace $0x9FFFFFFF  }
0xc1: {  	(tm) =	ssettm $0x7FFFFFFF  }
tec
execute0_lowered:
.L_overlay_start_1:
0x0: {  	(tag) =	ssettag $0x1  }
0x1: {  	s9 =	rddreg [dreg:$0x0]  }
0x2: {  	s0 =	rddreg [dreg:$0x1]  }
0x3: {  	s1 =	simm.s32 $0x0;
	s5 =	srdreg.scid;
	s2 =	stileid.u32  }
0x4: {  	s13 =	simm.s32 $0x4000;
	s14 =	simm.s32 $0x6000;
	s15 =	simm.s32 $0x8000  }
0x5: {  	s16 =	simm.s32 $0xA000;
	s17 =	simm.s32 $0x1C000;
	[smem:$0x7FF] =	sst s1  }
0x6: {  	s3 =	sadd.s32 $0xE00, s9;
	s4 =	sadd.s32 $0xA00, s9;
	s8 =	sand.u32 $0x1, s5  }
0x7: {  	s7 =	sshll.u32 s2, $0x1;
	s5 =	sadd.s32 $0x600, s9;
	s6 =	sadd.s32 $0x1A00, s9  }
0x8: {  	_ =	strace $0x80000047;
	s10 =	sor.u32 s8, s7;
	s7 =	sadd.s32 $0x1600, s9  }
0x9: {  	s12 =	ssub.s32 $0x2, s8;
	s8 =	sadd.s32 $0x1200, s9;
	s11 =	sshll.u32 s10, $0x1  }
0xa: {  	s31 =	sshrl.u32 s12, $0x1;
	s18 =	sshll.u32 s10, $0x8;
	s9 =	sadd.s32 s11, s9  }
0xb: {  	s11 =	ssub.s32 s12, s31;
	s12 =	simm.s32 $0x2000;
	v0 =	vmov s18;
	s18 =	simm.s32 $0x0  }
0xc: {  	s9 =	sadd.s32 $0x1E00, s9;
	s10 =	smax.u32 s11, $0x1;
	s11 =	simm.s32 $0x1;
	[tilespmem:$0x1FFF0] =	vst v0  }
.LBB2_1:
0xd: {  	[tilespmem:s1], [sflag:$0x1] =	stream.linear.gather [hbm4b:s3+s1], $0x2000, $0x38;
	[tilespmem:$0x1C080] =	vst v63  }
0xe: {  	_ =	swait.ge [sflag:s11], $0x2000  }
0xf: {  	[sflag:s11] =	ssyncset.done $0x0  }
0x10: {  	[sflag:s11] =	ssyncadd.s32 $0xFFFFE000  }
0x11: {  	[tilespmem:s12], [sflag:$0x1] =	stream.linear.gather [hbm4b:s4+s1], $0x2000, $0x38;
	[tilespmem:$0x1C080] =	vst v63  }
0x12: {  	_ =	swait.ge [sflag:s11], $0x2000  }
0x13: {  	[sflag:s11] =	ssyncset.done $0x0  }
0x14: {  	[sflag:s11] =	ssyncadd.s32 $0xFFFFE000  }
0x15: {  	[tilespmem:s13], [sflag:$0x1] =	stream.linear.gather [hbm4b:s5+s1], $0x2000, $0x38;
	[tilespmem:$0x1C080] =	vst v63  }
0x16: {  	_ =	swait.ge [sflag:s11], $0x2000  }
0x17: {  	[sflag:s11] =	ssyncset.done $0x0  }
0x18: {  	[sflag:s11] =	ssyncadd.s32 $0xFFFFE000  }
0x19: {  	[tilespmem:s14], [sflag:$0x1] =	stream.linear.gather [hbm4b:s6+s1], $0x2000, $0x38;
	[tilespmem:$0x1C080] =	vst v63  }
0x1a: {  	_ =	swait.ge [sflag:s11], $0x2000  }
0x1b: {  	[sflag:s11] =	ssyncset.done $0x0  }
0x1c: {  	[sflag:s11] =	ssyncadd.s32 $0xFFFFE000  }
0x1d: {  	[tilespmem:s15], [sflag:$0x1] =	stream.linear.gather [hbm4b:s7+s1], $0x2000, $0x38;
	[tilespmem:$0x1C080] =	vst v63  }
0x1e: {  	_ =	swait.ge [sflag:s11], $0x2000  }
0x1f: {  	[sflag:s11] =	ssyncset.done $0x0  }
0x20: {  	[sflag:s11] =	ssyncadd.s32 $0xFFFFE000  }
0x21: {  	[tilespmem:s16], [sflag:$0x1] =	stream.linear.gather [hbm4b:s8+s1], $0x2000, $0x38;
	[tilespmem:$0x1C080] =	vst v63  }
0x22: {  	_ =	swait.ge [sflag:s11], $0x2000  }
0x23: {  	[sflag:s11] =	ssyncset.done $0x0  }
0x24: {  	s20 =	simm.s32 $0x0;
	[sflag:s11] =	ssyncadd.s32 $0xFFFFE000  }
0x25: {  	v1 =	vld [tilespmem:s20+$0x0]  }
0x26: {  	v2 =	vld [tilespmem:s20+$0x2000]  }
0x27: {  	v5 =	vld [tilespmem:s20+$0x4000];
	_ =	sdelay $0x3  }
0x28: {  	s19 =	simm.s32 $0x10;
	v4 =	vmul.f32 v1, v1;
	v6 =	vmul.f32 v2, v2;
	v7 =	vshrl.u32 v1, $0x10  }
0x29: {  	v3 =	vld [tilespmem:s19+$0x0];
	v8 =	vshrl.u32 v2, $0x10;
	v9 =	vmul.f32 v5, v5;
	v10 =	vshrl.u32 v5, $0x10  }
0x2a: {  	v7 =	vand.u32 $0x1, v7;
	v8 =	vand.u32 $0x1, v8;
	v6 =	vadd.f32 v6, v4;
	v4 =	vld [tilespmem:s19+$0x2000]  }
0x2b: {  	v7 =	vadd.s32 v7, v1;
	v2 =	vadd.s32 v8, v2;
	v8 =	vand.u32 $0x1, v10  }
0x2c: {  	v1 =	vld [tilespmem:s19+$0x4000];
	v7 =	vadd.s32 $0x7FFF, v7;
	v5 =	vadd.s32 v8, v5  }
0x2d: {  	v2 =	vadd.s32 $0x7FFF, v2;
	v6 =	vadd.f32 v9, v6;
	v7 =	vand.u32 $0xFFFF0000, v7  }
0x2e: {  	v8 =	vshrl.u32 v3, $0x10;
	v5 =	vadd.s32 $0x7FFF, v5;
	v10 =	vand.u32 $0xFFFF0000, v2;
	[tilespmem:s20+$0xC000] =	vst v7  }
0x2f: {  	s21 =	simm.s32 $0x20;
	[tilespmem:s20+$0x18000] =	vst v6;
	v6 =	vmul.f32 v3, v3;
	v7 =	vshrl.u32 v4, $0x10;
	v9 =	vmul.f32 v4, v4  }
0x30: {  	s22 =	simm.s32 $0xC0;
	v8 =	vand.u32 $0x1, v8;
	v5 =	vand.u32 $0xFFFF0000, v5;
	v2 =	vld [tilespmem:s21+$0x0];
	[tilespmem:s20+$0xE000] =	vst v10;
	v7 =	vand.u32 $0x1, v7  }
.LBB2_2:
0x31: {  	p0 =	sne.s32 s22, $0x7FC0;
	v10 =	vld [tilespmem:s21+$0x2000];
	v6 =	vadd.f32 v9, v6;
	v9 =	vmul.f32 v1, v1;
	v11 =	vshrl.u32 v1, $0x10;
	[tilespmem:s20+$0x10000] =	vst v5;
	s20 =	smov.u32 s19;
	s19 =	smov.u32 s21  }
0x32: {  	v3 =	vadd.s32 v8, v3;
	v4 =	vadd.s32 v7, v4;
	v5 =	vand.u32 $0x1, v11  }
.Ltmp0:
0x33: {  	v6 =	vadd.f32 v9, v6;
	v9 =	vadd.s32 $0x7FFF, v3;
	v5 =	vadd.s32 v5, v1;
	v1 =	vld [tilespmem:s19+$0x4000];
	(pc) =	sbr.rel @p0 .LBB2_2-.Ltmp0, $4  }
0x34: {  	v0 =	vadd.s32 $0x7FFF, v4;
	v7 =	vand.u32 $0xFFFF0000, v9;
	v13 =	vadd.s32 $0x7FFF, v5  }
0x35: {  	v11 =	vand.u32 $0xFFFF0000, v0;
	v8 =	vshrl.u32 v2, $0x10;
	[tilespmem:s20+$0x18000] =	vst v6;
	v5 =	vand.u32 $0xFFFF0000, v13;
	v3 =	vmovc v2  }
0x36: {  	s21 =	sshra.s32 s22, $0x2;
	v6 =	vmul.f32 v2, v3;
	v9 =	vmul.f32 v10, v10;
	v12 =	vshrl.u32 v10, $0x10;
	[tilespmem:s20+$0xC000] =	vst v7;
	v4 =	vmovc v10  }
0x37: {  	s22 =	sadd.s32 $0x40, s22;
	v8 =	vand.u32 $0x1, v8;
	v2 =	vld [tilespmem:s21+$0x0];
	v7 =	vand.u32 $0x1, v12;
	[tilespmem:s20+$0xE000] =	vst v11  }
0x38: {  	v10 =	vld [tilespmem:s21+$0x2000];
	v6 =	vadd.f32 v9, v6;
	[tilespmem:s20+$0x10000] =	vst v5;
	v54 =	vmul.f32 v1, v1  }
0x39: {  	v55 =	vshrl.u32 v1, $0x10;
	v3 =	vadd.s32 v8, v3;
	v4 =	vadd.s32 v7, v4;
	v56 =	vld [tilespmem:s21+$0x4000]  }
0x3a: {  	v57 =	vand.u32 $0x1, v55;
	v3 =	vadd.s32 $0x7FFF, v3;
	v4 =	vadd.s32 $0x7FFF, v4  }
0x3b: {  	v5 =	vadd.f32 v54, v6;
	v1 =	vadd.s32 v57, v1;
	v3 =	vand.u32 $0xFFFF0000, v3  }
0x3c: {  	v4 =	vand.u32 $0xFFFF0000, v4;
	v1 =	vadd.s32 $0x7FFF, v1;
	v58 =	vmul.f32 v2, v2  }
0x3d: {  	v60 =	vshrl.u32 v2, $0x10;
	v1 =	vand.u32 $0xFFFF0000, v1;
	v59 =	vmul.f32 v10, v10  }
0x3e: {  	[tilespmem:s19+$0xC000] =	vst v3;
	v61 =	vshrl.u32 v10, $0x10;
	v3 =	vand.u32 $0x1, v60;
	v62 =	vmul.f32 v56, v56  }
0x3f: {  	[tilespmem:s19+$0x18000] =	vst v5;
	v5 =	vand.u32 $0x1, v61;
	v2 =	vadd.s32 v3, v2;
	v6 =	vadd.f32 v59, v58  }
0x40: {  	[tilespmem:s19+$0x10000] =	vst v1;
	v63 =	vshrl.u32 v56, $0x10;
	v1 =	vadd.s32 v5, v10;
	v2 =	vadd.s32 $0x7FFF, v2  }
0x41: {  	p2 =	por $0x1, $0x1;
	[tilespmem:s19+$0xE000] =	vst v4;
	v4 =	vand.u32 $0x1, v63;
	v2 =	vand.u32 $0xFFFF0000, v2;
	v3 =	vadd.f32 v62, v6  }
.Ltmp1:
0x42: {  	v4 =	vadd.s32 v4, v56;
	v1 =	vadd.s32 $0x7FFF, v1;
	[tilespmem:s21+$0xC000] =	vst v2;
	(pc) =	sbr.rel @!p2 .LBB2_4-.Ltmp1, $4  }
0x43: {  	v1 =	vand.u32 $0xFFFF0000, v1;
	[tilespmem:s21+$0x18000] =	vst v3;
	v3 =	vadd.s32 $0x7FFF, v4  }
0x44: {  	[tilespmem:s21+$0xE000] =	vst v1;
	v2 =	vand.u32 $0xFFFF0000, v3  }
0x45: {  	s19 =	simm.s32 $0x0;
	[tilespmem:s21+$0x10000] =	vst v2  }
0x46: {  	s20 =	simm.s32 $0x0;
	p0 =	por $0x0, $0x0;
	p1 =	por $0x0, $0x0;
	v1 =	vld [tilespmem:s19+$0x6000]  }
0x47: {  	v3 =	vld [tilespmem:s19+$0x8000]  }
0x48: {  	p2 =	por $0x1, $0x1  }
.Ltmp2:
0x49: {  	s22 =	simm.s32 $0x10;
	(pc) =	sbr.rel @!p2 .LBB2_6-.Ltmp2, $3  }
0x4a: {  	v2 =	vld [tilespmem:s22+$0x6000];
	_ =	sdelay $0x1  }
0x4b: {  	v5 =	vshrl.u32 v1, $0x10;
	v4 =	vmul.f32 v1, v1;
	v8 =	vshrl.u32 v3, $0x10  }
0x4c: {  	v7 =	vld [tilespmem:s19+$0xA000];
	p0 =	por $0x1, $0x1;
	v6 =	vmul.f32 v3, v3;
	v9 =	vand.u32 $0x1, v5;
	v10 =	vand.u32 $0x1, v8  }
0x4d: {  	_ =	sdelay $0x2  }
0x4e: {  	v8 =	vld [tilespmem:s22+$0x8000];
	v1 =	vadd.s32 v9, v1  }
0x4f: {  	v4 =	vadd.f32 v6, v4;
	v1 =	vadd.s32 $0x7FFF, v1;
	v5 =	vmul.f32 v7, v7  }
0x50: {  	p2 =	por $0x1, $0x1;
	v1 =	vand.u32 $0xFFFF0000, v1;
	v6 =	vshrl.u32 v7, $0x10  }
.Ltmp3:
0x51: {  	v6 =	vand.u32 $0x1, v6;
	v4 =	vadd.f32 v5, v4;
	v5 =	vadd.s32 v10, v3;
	v3 =	vld [tilespmem:s22+$0xA000];
	(pc) =	sbr.rel @!p2 .LBB2_8-.Ltmp3, $4  }
0x52: {  	v6 =	vadd.s32 v6, v7;
	v7 =	vshrl.u32 v2, $0x10;
	v5 =	vadd.s32 $0x7FFF, v5  }
0x53: {  	v10 =	vshrl.u32 v8, $0x10;
	[tilespmem:s19+$0x1A000] =	vst v4;
	v4 =	vadd.s32 $0x7FFF, v6;
	v11 =	vand.u32 $0xFFFF0000, v5  }
0x54: {  	s21 =	simm.s32 $0x20;
	[tilespmem:s19+$0x12000] =	vst v1;
	v6 =	vmul.f32 v8, v8;
	v5 =	vand.u32 $0xFFFF0000, v4;
	v4 =	vmul.f32 v2, v2  }
0x55: {  	s23 =	simm.s32 $0xC0;
	p1 =	por $0x1, $0x1;
	v9 =	vand.u32 $0x1, v7;
	v10 =	vand.u32 $0x1, v10;
	v1 =	vld [tilespmem:s21+$0x6000];
	[tilespmem:s19+$0x14000] =	vst v11  }
.LBB2_9:
0x56: {  	p2 =	sne.s32 s23, $0x7FC0;
	v7 =	vld [tilespmem:s21+$0x8000];
	v4 =	vadd.f32 v6, v4;
	v6 =	vmul.f32 v3, v3;
	v11 =	vshrl.u32 v3, $0x10;
	[tilespmem:s19+$0x16000] =	vst v5;
	s19 =	smov.u32 s22;
	s22 =	smov.u32 s21  }
0x57: {  	v2 =	vadd.s32 v9, v2;
	v5 =	vadd.s32 v10, v8;
	v8 =	vand.u32 $0x1, v11  }
.Ltmp4:
0x58: {  	v10 =	vadd.s32 $0x7FFF, v2;
	v4 =	vadd.f32 v6, v4;
	v6 =	vadd.s32 v8, v3;
	v3 =	vld [tilespmem:s22+$0xA000];
	(pc) =	sbr.rel @p2 .LBB2_9-.Ltmp4, $4  }
0x59: {  	v0 =	vadd.s32 $0x7FFF, v5;
	v12 =	vand.u32 $0xFFFF0000, v10;
	v5 =	vadd.s32 $0x7FFF, v6  }
0x5a: {  	v11 =	vand.u32 $0xFFFF0000, v0;
	v9 =	vshrl.u32 v1, $0x10;
	[tilespmem:s19+$0x1A000] =	vst v4;
	v5 =	vand.u32 $0xFFFF0000, v5;
	v2 =	vmovc v1  }
0x5b: {  	s21 =	sshra.s32 s23, $0x2;
	v4 =	vmul.f32 v1, v2;
	v6 =	vmul.f32 v7, v7;
	v10 =	vshrl.u32 v7, $0x10;
	[tilespmem:s19+$0x12000] =	vst v12;
	v8 =	vmovc v7  }
0x5c: {  	s23 =	sadd.s32 $0x40, s23;
	v9 =	vand.u32 $0x1, v9;
	v1 =	vld [tilespmem:s21+$0x6000];
	v10 =	vand.u32 $0x1, v10;
	[tilespmem:s19+$0x14000] =	vst v11  }
0x5d: {  	s23 =	smov.u32 s19;
	v7 =	vmov v3;
	s19 =	smov.u32 s22;
	v11 =	vmov v2;
	v3 =	vmov v8  }
.LBB2_11:
0x5e: {  	v2 =	vld [tilespmem:s21+$0x8000];
	v4 =	vadd.f32 @p0 v6, v4;
	v6 =	vmul.f32 @p0 v7, v7;
	[tilespmem:s23+$0x16000] =	vst @p1 v5;
	v5 =	vshrl.u32 @p0 v7, $0x10  }
0x5f: {  	v8 =	vadd.s32 @p0 v9, v11;
	v3 =	vadd.s32 @p0 v10, v3;
	v5 =	vand.u32 @p0 $0x1, v5  }
0x60: {  	v53 =	vld [tilespmem:s21+$0xA000];
	v3 =	vadd.s32 @p0 $0x7FFF, v3;
	v4 =	vadd.f32 @p0 v6, v4;
	v6 =	vadd.s32 @p0 $0x7FFF, v8  }
0x61: {  	v5 =	vadd.s32 @p0 v5, v7;
	v3 =	vand.u32 @p0 $0xFFFF0000, v3;
	v6 =	vand.u32 @p0 $0xFFFF0000, v6  }
0x62: {  	v5 =	vadd.s32 @p0 $0x7FFF, v5;
	v54 =	vmul.f32 v1, v1;
	v56 =	vshrl.u32 v1, $0x10  }
0x63: {  	v5 =	vand.u32 @p0 $0xFFFF0000, v5;
	v59 =	vand.u32 $0x1, v56;
	v55 =	vmul.f32 v2, v2  }
0x64: {  	[tilespmem:s19+$0x14000] =	vst @p0 v3;
	v57 =	vshrl.u32 v2, $0x10;
	v5 =	vpsel p0, v5, v0;
	v61 =	vadd.s32 v59, v1  }
0x65: {  	[tilespmem:s19+$0x1A000] =	vst @p0 v4;
	v58 =	vmul.f32 v53, v53;
	v4 =	vand.u32 $0x1, v57;
	v60 =	vshrl.u32 v53, $0x10  }
0x66: {  	[tilespmem:s19+$0x12000] =	vst @p0 v6;
	s19 =	smov.u32 @p0 s19;
	v1 =	vadd.s32 $0x7FFF, v61;
	v7 =	vadd.f32 v55, v54;
	v2 =	vadd.s32 v4, v2  }
0x67: {  	[tilespmem:s19+$0x16000] =	vst @p0 v5;
	v3 =	vand.u32 $0x1, v60;
	v1 =	vand.u32 $0xFFFF0000, v1;
	v2 =	vadd.s32 $0x7FFF, v2  }
0x68: {  	v3 =	vadd.s32 v3, v53;
	[tilespmem:s21+$0x12000] =	vst v1;
	v62 =	vadd.f32 v58, v7;
	v2 =	vand.u32 $0xFFFF0000, v2  }
0x69: {  	v3 =	vadd.s32 $0x7FFF, v3;
	[tilespmem:s21+$0x14000] =	vst v2  }
0x6a: {  	v63 =	vand.u32 $0xFFFF0000, v3;
	[tilespmem:s21+$0x1A000] =	vst v62  }
0x6b: {  	s19 =	simm.f32 $0.0e+00;
	[tilespmem:s21+$0x16000] =	vst v63  }
.LBB2_12:
0x6c: {  	v0 =	vld [tilespmem:$0x1FFF0];
	_ =	sdelay $0x6  }
0x6d: {  	s23 =	sshll.u32 s20, $0x3  }
0x6e: {  	v1 =	vld.idx.msk [tilespmem:v0+s23+$0xC000 ss:$0x1], $0xffff  }
0x6f: {  	v2 =	vld.idx.msk [tilespmem:v0+s23+$0xE000 ss:$0x1], $0xffff  }
0x70: {  	v3 =	vld.idx.msk [tilespmem:v0+s23+$0x10000 ss:$0x1], $0xffff;
	_ =	sdelay $0x3  }
0x71: {  	v22 =	vmul.f32 $-2.000000000e+00, v1  }
0x72: {  	v23 =	vmul.f32 $-2.000000000e+00, v2;
	v24 =	vmul.f32 $-2.000000000e+00, v3  }
0x73: {  	v1 =	vbroadcast v22, $0x0  }
0x74: {  	v2 =	vbroadcast v23, $0x0;
	v3 =	vbroadcast v24, $0x0  }
0x75: {  	v4 =	vbroadcast v22, $0x1;
	v5 =	vbroadcast v23, $0x1  }
0x76: {  	v6 =	vbroadcast v24, $0x1;
	v7 =	vbroadcast v22, $0x2  }
0x77: {  	v8 =	vbroadcast v23, $0x2;
	v9 =	vbroadcast v24, $0x2  }
0x78: {  	v10 =	vbroadcast v22, $0x3;
	v11 =	vbroadcast v23, $0x3  }
0x79: {  	s22 =	simm.s32 $0x14010;
	v12 =	vbroadcast v24, $0x3;
	v13 =	vbroadcast v22, $0x4  }
0x7a: {  	v26 =	vld [tilespmem:s22+$0x0];
	v14 =	vbroadcast v23, $0x4;
	v15 =	vbroadcast v24, $0x4  }
0x7b: {  	v16 =	vbroadcast v22, $0x5;
	v17 =	vbroadcast v23, $0x5  }
0x7c: {  	s21 =	simm.s32 $0x16010;
	v27 =	vld [tilespmem:s22+$0xFFFFFFF0];
	v18 =	vbroadcast v24, $0x5;
	v19 =	vbroadcast v22, $0x6  }
0x7d: {  	v32 =	vld [tilespmem:s21+$0xFFFFFFF0];
	v20 =	vbroadcast v23, $0x6;
	v21 =	vbroadcast v24, $0x6  }
0x7e: {  	v22 =	vbroadcast v22, $0x7;
	v23 =	vbroadcast v23, $0x7  }
0x7f: {  	v24 =	vbroadcast v24, $0x7;
	v29 =	vmul.f32 v26, v8  }
0x80: {  	v33 =	vmul.f32 v26, v11;
	v34 =	vmul.f32 v26, v2  }
0x81: {  	s24 =	simm.s32 $0x12010;
	v35 =	vmul.f32 v26, v14;
	v37 =	vmul.f32 v27, v5  }
0x82: {  	v38 =	vld [tilespmem:s24+$0x0];
	v28 =	vmul.f32 v32, v9;
	v30 =	vmul.f32 v27, v8  }
0x83: {  	v41 =	vmul.f32 v26, v20;
	v31 =	vmul.f32 v32, v12  }
0x84: {  	v36 =	vmul.f32 v26, v17;
	v39 =	vmul.f32 v27, v11  }
0x85: {  	v40 =	vmul.f32 v26, v5;
	v42 =	vmul.f32 v27, v14  }
0x86: {  	v45 =	vmul.f32 v27, v23;
	v46 =	vmul.f32 v32, v24  }
0x87: {  	v47 =	vmul.f32 v38, v7;
	v48 =	vmul.f32 v32, v15  }
0x88: {  	[tilespmem:$0x1FF10] =	vst v8;
	v60 =	vmul.f32 v27, v17;
	v49 =	vmul.f32 v27, v20  }
0x89: {  	v53 =	vmul.f32 v27, v2;
	v61 =	vmul.f32 v32, v3;
	v43 =	vld [tilespmem:s21+$0x0]  }
0x8a: {  	v62 =	vmul.f32 v32, v21;
	v63 =	vmul.f32 v32, v18  }
0x8b: {  	s22 =	simm.s32 $0x1A010;
	v8 =	vmul.f32 v38, v10;
	v26 =	vmul.f32 v26, v23;
	[tilespmem:$0x1FF20] =	vst v11  }
0x8c: {  	v32 =	vmul.f32 v32, v6;
	v11 =	vmul.f32 v38, v19;
	v44 =	vld [tilespmem:s22+$0x0]  }
0x8d: {  	[tilespmem:$0x1FF30] =	vst v5;
	v48 =	vadd.f32 v48, v42;
	v42 =	vadd.f32 v61, v53;
	v61 =	vmul.f32 v38, v1  }
0x8e: {  	v25 =	vimm.f32 $3.000000010e+38;
	v50 =	vld [tilespmem:s24+$0xFFFFFFF0];
	[tilespmem:$0x1FF40] =	vst v2;
	v2 =	vmul.f32 v38, v13;
	v52 =	vmul.f32 v43, v18  }
0x8f: {  	v51 =	vadd.f32 v31, v39;
	v31 =	vmul.f32 v43, v6;
	v54 =	vmul.f32 v43, v15  }
0x90: {  	v30 =	vadd.f32 v28, v30;
	v57 =	vmul.f32 v43, v21;
	v58 =	vmul.f32 v43, v24  }
0x91: {  	v59 =	vmul.f32 v43, v12;
	v28 =	vadd.f32 v44, v47;
	v39 =	vadd.f32 v44, v8  }
0x92: {  	v8 =	vmul.f32 v43, v9;
	v43 =	vmul.f32 v43, v3;
	v56 =	vadd.f32 v31, v40  }
0x93: {  	v27 =	vld [tilespmem:s22+$0xFFFFFFF0];
	v55 =	vmul.f32 v50, v16;
	v31 =	vadd.f32 v46, v45;
	v52 =	vadd.f32 v52, v36  }
0x94: {  	v36 =	vadd.f32 v62, v49;
	v5 =	vmul.f32 v50, v13;
	v45 =	vadd.f32 v63, v60  }
0x95: {  	v40 =	vadd.f32 v44, v2;
	v35 =	vadd.f32 v54, v35;
	v60 =	vmul.f32 v38, v4  }
0x96: {  	v62 =	vmul.f32 v38, v22;
	v2 =	vadd.f32 v44, v61;
	v41 =	vadd.f32 v57, v41  }
0x97: {  	v38 =	vmul.f32 v38, v16;
	v47 =	vadd.f32 v8, v29;
	v34 =	vadd.f32 v43, v34  }
0x98: {  	[tilespmem:$0x1FF70] =	vst v9;
	v9 =	vmul.f32 v50, v19;
	v55 =	vadd.f32 v27, v55;
	v46 =	vadd.f32 v27, v5  }
0x99: {  	v61 =	vmul.f32 v50, v10;
	v35 =	vadd.f32 v35, v40;
	v40 =	vadd.f32 v44, v11  }
0x9a: {  	v63 =	vadd.f32 v44, v60;
	v5 =	vadd.f32 v44, v38;
	v11 =	vmul.f32 v50, v1  }
0x9b: {  	[tilespmem:$0x1FF50] =	vst v13;
	v60 =	vmul.f32 v50, v22;
	v43 =	vadd.f32 v27, v9;
	v53 =	vadd.f32 v45, v55  }
0x9c: {  	v0 =	vld.idx.msk [tilespmem:v0+s23+$0x18000 ss:$0x1], $0xffff;
	[tilespmem:$0x1FF60] =	vst v12;
	v38 =	vimm.f32 $3.000000010e+38;
	v48 =	vadd.f32 v48, v46;
	v45 =	vadd.f32 v59, v33  }
0x9d: {  	[tilespmem:$0x1FF80] =	vst v3;
	v46 =	vadd.f32 v44, v62;
	v44 =	vadd.f32 v56, v63;
	v59 =	vmul.f32 v50, v4  }
0x9e: {  	[tilespmem:$0x1FF90] =	vst v1;
	v33 =	vadd.f32 v52, v5;
	v50 =	vmul.f32 v50, v7;
	v52 =	vadd.f32 v27, v11  }
0x9f: {  	[tilespmem:$0x1FFA0] =	vst v4;
	v62 =	vadd.f32 v27, v61;
	v55 =	vadd.f32 v32, v37;
	v37 =	vimm.f32 $3.000000010e+38  }
0xa0: {  	[tilespmem:$0x1FFB0] =	vst v10;
	v49 =	vadd.f32 v27, v59;
	v63 =	vmin.f32 v25, v53;
	v53 =	vadd.f32 v34, v2  }
0xa1: {  	[tilespmem:$0x1FFC0] =	vst v6;
	v48 =	vmin.f32 v25, v48;
	v54 =	vadd.f32 v51, v62;
	v51 =	vadd.f32 v58, v26  }
0xa2: {  	[tilespmem:$0x1FFD0] =	vst v7;
	v34 =	vimm.f32 $3.000000010e+38;
	v29 =	vmin.f32 v48, v35;
	v48 =	vadd.f32 v27, v60  }
0xa3: {  	s25 =	simm.s32 $0x12030;
	s23 =	simm.s32 $0x0;
	s24 =	simm.s32 $0x14030;
	[tilespmem:$0x1FFE0] =	vst v0;
	v32 =	vmin.f32 v63, v33;
	v35 =	vimm.f32 $3.000000010e+38;
	v33 =	vimm.f32 $3.000000010e+38  }
.LBB2_13:
0xa4: {  	v56 =	vld [tilespmem:s24+$0x0]  }
0xa5: {  	v2 =	vld [tilespmem:$0x1FF10]  }
0xa6: {  	v3 =	vld [tilespmem:$0x1FF20]  }
0xa7: {  	v0 =	vld [tilespmem:$0x1FF40]  }
0xa8: {  	v1 =	vld [tilespmem:$0x1FF30]  }
0xa9: {  	v27 =	vadd.f32 v27, v50;
	v39 =	vadd.f32 v45, v39;
	v8 =	vld [tilespmem:$0x1FF70]  }
0xaa: {  	v50 =	vld [tilespmem:s25+$0x0];
	v42 =	vadd.f32 v42, v52;
	v40 =	vadd.f32 v41, v40  }
0xab: {  	v11 =	vld [tilespmem:$0x1FFD0];
	v46 =	vadd.f32 v51, v46;
	v62 =	vadd.f32 v55, v49  }
0xac: {  	s21 =	sadd.s32 $0x20, s21;
	v52 =	vld [tilespmem:s24+$0xFFFFFFF0];
	v28 =	vadd.f32 v47, v28;
	v27 =	vadd.f32 v30, v27  }
0xad: {  	v41 =	vld [tilespmem:s21+$0xFFFFFFF0];
	v30 =	vadd.f32 v36, v43;
	v34 =	vmin.f32 v34, v42;
	v63 =	vmin.f32 v37, v62  }
0xae: {  	v13 =	vld [tilespmem:$0x1FF60];
	v34 =	vmin.f32 v34, v53;
	v51 =	vmul.f32 v56, v2;
	v45 =	vmul.f32 v56, v3  }
0xaf: {  	v38 =	vmin.f32 v38, v27;
	v53 =	vmul.f32 v56, v0;
	v43 =	vmul.f32 v56, v14  }
0xb0: {  	v37 =	vmin.f32 v63, v44;
	v55 =	vmul.f32 v56, v20;
	v44 =	vmul.f32 v56, v17  }
0xb1: {  	v10 =	vld [tilespmem:$0x1FFC0];
	v58 =	vmul.f32 v56, v1;
	v38 =	vmin.f32 v38, v28;
	v28 =	vmul.f32 v50, v11  }
0xb2: {  	v9 =	vld [tilespmem:$0x1FF80];
	v25 =	vmin.f32 v25, v54;
	v54 =	vmul.f32 v52, v1;
	v7 =	vmul.f32 v41, v8  }
0xb3: {  	v31 =	vadd.f32 v31, v48;
	v47 =	vld [tilespmem:s21+$0x0];
	v2 =	vmul.f32 v52, v2;
	v4 =	vmul.f32 v41, v13  }
0xb4: {  	s22 =	sadd.s32 $0x20, s22;
	v5 =	vmul.f32 v52, v3;
	v6 =	vmul.f32 v52, v14  }
0xb5: {  	v57 =	vld [tilespmem:s22+$0x0];
	v31 =	vmin.f32 v33, v31;
	v59 =	vmul.f32 v52, v23;
	v60 =	vmul.f32 v41, v24  }
0xb6: {  	v33 =	vmin.f32 v31, v46;
	v31 =	vmul.f32 v41, v15;
	v46 =	vmul.f32 v52, v17  }
0xb7: {  	v48 =	vld [tilespmem:s25+$0xFFFFFFF0];
	v25 =	vmin.f32 v25, v39;
	v36 =	vmul.f32 v52, v20;
	v42 =	vmul.f32 v52, v0  }
0xb8: {  	v12 =	vld [tilespmem:$0x1FFB0];
	v30 =	vmin.f32 v35, v30;
	v3 =	vmul.f32 v47, v10;
	v52 =	vmul.f32 v41, v9  }
0xb9: {  	v35 =	vmin.f32 v30, v40;
	v63 =	vmul.f32 v47, v15;
	v0 =	vmul.f32 v47, v21  }
0xba: {  	v27 =	vld [tilespmem:s22+$0xFFFFFFF0];
	v49 =	vmul.f32 v41, v21;
	v8 =	vmul.f32 v47, v8;
	v28 =	vadd.f32 v57, v28  }
0xbb: {  	v61 =	vadd.f32 v4, v5;
	v30 =	vadd.f32 v7, v2;
	v7 =	vmul.f32 v47, v18  }
0xbc: {  	v62 =	vadd.f32 v31, v6;
	v4 =	vmul.f32 v48, v16;
	v58 =	vadd.f32 v3, v58  }
0xbd: {  	v31 =	vadd.f32 v60, v59;
	v5 =	vmul.f32 v50, v12;
	v6 =	vmul.f32 v41, v18  }
0xbe: {  	v36 =	vadd.f32 v49, v36;
	v3 =	vmul.f32 v50, v16;
	v26 =	vadd.f32 v7, v44;
	v7 =	vld [tilespmem:$0x1FF50]  }
0xbf: {  	v42 =	vadd.f32 v52, v42;
	v49 =	vmul.f32 v48, v19;
	v1 =	vadd.f32 v27, v4;
	v4 =	vld [tilespmem:$0x1FF90]  }
0xc0: {  	v63 =	vadd.f32 v63, v43;
	v44 =	vmul.f32 v50, v19;
	v39 =	vadd.f32 v57, v5;
	v5 =	vld [tilespmem:$0x1FFA0]  }
0xc1: {  	v59 =	vmul.f32 v47, v24;
	v2 =	vadd.f32 v6, v46;
	v43 =	vadd.f32 v27, v49  }
0xc2: {  	v6 =	vmul.f32 v48, v22;
	v3 =	vadd.f32 v57, v3;
	v40 =	vadd.f32 v57, v44  }
0xc3: {  	v1 =	vadd.f32 v2, v1;
	v2 =	vmul.f32 v47, v13;
	v60 =	vmul.f32 v50, v7  }
0xc4: {  	v3 =	vadd.f32 v26, v3;
	v44 =	vmul.f32 v48, v7;
	v46 =	vmul.f32 v50, v4  }
0xc5: {  	v45 =	vadd.f32 v2, v45;
	v52 =	vmul.f32 v50, v5;
	v5 =	vmul.f32 v48, v5  }
0xc6: {  	v4 =	vmul.f32 v48, v4;
	v60 =	vadd.f32 v57, v60;
	v44 =	vadd.f32 v27, v44  }
0xc7: {  	v7 =	vadd.f32 v57, v46;
	v49 =	vadd.f32 v27, v5;
	v5 =	vmul.f32 v47, v9  }
0xc8: {  	v47 =	vadd.f32 v57, v52;
	v9 =	vmul.f32 v48, v12;
	v52 =	vadd.f32 v27, v4  }
0xc9: {  	s23 =	sadd.s32 $0x20, s23;
	v60 =	vadd.f32 v63, v60;
	v63 =	vmul.f32 v50, v22;
	v44 =	vadd.f32 v62, v44  }
0xca: {  	p0 =	slt.u32 s23, $0x1FE0;
	v50 =	vmul.f32 v48, v11;
	v48 =	vadd.f32 v27, v6;
	v2 =	vadd.f32 v27, v9  }
.Ltmp5:
0xcb: {  	v62 =	vmul.f32 v41, v10;
	v5 =	vadd.f32 v5, v53;
	v41 =	vadd.f32 v0, v55;
	(pc) =	sbr.rel @p0 .LBB2_13-.Ltmp5, $4  }
0xcc: {  	v46 =	vadd.f32 v57, v63;
	v11 =	vmin.f32 v29, v44;
	v44 =	vadd.f32 v58, v47  }
0xcd: {  	v56 =	vmul.f32 v56, v23;
	v47 =	vadd.f32 v8, v51;
	v55 =	vadd.f32 v62, v54  }
0xce: {  	v63 =	vmin.f32 v32, v1;
	v53 =	vadd.f32 v5, v7;
	v54 =	vadd.f32 v61, v2  }
0xcf: {  	s24 =	sadd.s32 $0x20, s24;
	s25 =	sadd.s32 $0x20, s25;
	v51 =	vadd.f32 v59, v56;
	v29 =	vmin.f32 v11, v60;
	v32 =	vmin.f32 v63, v3  }
0xd0: {  	v0 =	vadd.f32 v42, v52;
	_ =	sdelay $0x1  }
0xd1: {  	v1 =	vadd.f32 v55, v49;
	v0 =	vmin.f32 v34, v0  }
0xd2: {  	v2 =	vadd.f32 v27, v50;
	v0 =	vmin.f32 v0, v53  }
0xd3: {  	v1 =	vmin.f32 v37, v1;
	(xrf1) =	vsort.ascd.msk.f32 $0xffff, v0, v0  }
0xd4: {  	v42 =	vadd.f32 v30, v2;
	v1 =	vmin.f32 v1, v44  }
0xd5: {  	v44 =	vadd.f32 v47, v28;
	(xrf1) =	vsort.ascd.msk.f32 $0xffff, v1, v1  }
0xd6: {  	v0 =	vmin.f32 v38, v42  }
0xd7: {  	v45 =	vadd.f32 v45, v39;
	v0 =	vmin.f32 v0, v44  }
0xd8: {  	v47 =	vmin.f32 v25, v54;
	(xrf1) =	vsort.ascd.msk.f32 $0xffff, v0, v0  }
0xd9: {  	v49 =	vmin.f32 v47, v45  }
0xda: {  	(xrf1) =	vsort.ascd.msk.f32 $0xffff, v49, v49;
	_ =	sdelay $0x2  }
0xdb: {  	(xrf1) =	vsort.ascd.msk.f32 $0xffff, v29, v29  }
0xdc: {  	v56 =	vld [tilespmem:$0x1FFE0]  }
0xdd: {  	v50 =	vadd.f32 v36, v43;
	(xrf1) =	vsort.ascd.msk.f32 $0xffff, v32, v32  }
0xde: {  	v52 =	vadd.f32 v41, v40  }
0xdf: {  	v53 =	vadd.f32 v31, v48;
	v0 =	vmin.f32 v35, v50;
	v54, _, _ =	vpop (xrf1)  }
0xe0: {  	v3 =	vadd.f32 v51, v46;
	v0 =	vmin.f32 v0, v52;
	(v2sf) =	vpush v54, $0x0  }
0xe1: {  	v55 =	vmin.f32 v33, v53;
	(xrf1) =	vsort.ascd.msk.f32 $0xffff, v0, v0;
	v57, _, _ =	vpop (xrf1);
	(v2sf) =	vpush v56, $0x0  }
0xe2: {  	v0 =	vmin.f32 v55, v3;
	(v2sf) =	vpush v57, $0x0  }
0xe3: {  	(xrf1) =	vsort.ascd.msk.f32 $0xffff, v0, v0;
	(v2sf) =	vpush v56, $0x1  }
0xe4: {  	v58, _, _ =	vpop (xrf1)  }
0xe5: {  	(v2sf) =	vpush v58, $0x0  }
0xe6: {  	v59, _, _ =	vpop (xrf1);
	(v2sf) =	vpush v56, $0x2  }
0xe7: {  	(v2sf) =	vpush v59, $0x0  }
0xe8: {  	(v2sf) =	vpush v56, $0x3  }
0xe9: {  	v60, _, _ =	vpop (xrf1)  }
0xea: {  	(v2sf) =	vpush v60, $0x0  }
0xeb: {  	v61, _, _ =	vpop (xrf1);
	(v2sf) =	vpush v56, $0x4  }
0xec: {  	(v2sf) =	vpush v61, $0x0  }
0xed: {  	(v2sf) =	vpush v56, $0x5;
	_ =	sdelay $0x1  }
0xee: {  	v62, _, _ =	vpop (xrf1);
	s21 =	spop (v2sf)  }
0xef: {  	(v2sf) =	vpush v62, $0x0;
	s22 =	spop (v2sf)  }
0xf0: {  	v63, _, _ =	vpop (xrf1);
	(v2sf) =	vpush v56, $0x6;
	s21 =	sadd.f32 s21, s22;
	s24 =	spop (v2sf)  }
0xf1: {  	(v2sf) =	vpush v63, $0x0;
	s23 =	spop (v2sf)  }
0xf2: {  	(v2sf) =	vpush v56, $0x7;
	s21 =	smax.f32 s21, $0.0e+00;
	s22 =	sadd.f32 s24, s23  }
0xf3: {  	s25 =	spop (v2sf);
	s19 =	sadd.f32 s21, s19  }
0xf4: {  	s26 =	spop (v2sf);
	s22 =	smax.f32 s22, $0.0e+00  }
0xf5: {  	s28 =	spop (v2sf);
	s21 =	sadd.f32 s25, s26  }
0xf6: {  	s19 =	sadd.f32 s22, s19;
	s29 =	spop (v2sf)  }
0xf7: {  	s22 =	sadd.f32 s28, s29;
	s21 =	smax.f32 s21, $0.0e+00  }
0xf8: {  	s30 =	spop (v2sf);
	s19 =	sadd.f32 s21, s19  }
0xf9: {  	s31 =	spop (v2sf);
	s22 =	smax.f32 s22, $0.0e+00  }
0xfa: {  	s21 =	sadd.f32 s30, s31;
	s24 =	spop (v2sf)  }
0xfb: {  	s19 =	sadd.f32 s22, s19;
	s25 =	spop (v2sf)  }
0xfc: {  	s21 =	smax.f32 s21, $0.0e+00;
	s22 =	sadd.f32 s24, s25  }
0xfd: {  	s19 =	sadd.f32 s21, s19  }
0xfe: {  	s22 =	smax.f32 s22, $0.0e+00;
	s26 =	spop (v2sf)  }
0xff: {  	s20 =	sadd.s32 $0x1, s20;
	s19 =	sadd.f32 s22, s19;
	s28 =	spop (v2sf)  }
0x100: {  	p0 =	sne.s32 s20, $0x20;
	s21 =	sadd.f32 s26, s28;
	s29 =	spop (v2sf)  }
.Ltmp6:
0x101: {  	s30 =	spop (v2sf);
	(pc) =	sbr.rel @p0 .LBB2_12-.Ltmp6, $4  }
0x102: {  	s22 =	sadd.f32 s29, s30;
	s21 =	smax.f32 s21, $0.0e+00  }
0x103: {  	s19 =	sadd.f32 s21, s19  }
0x104: {  	s31 =	smax.f32 s22, $0.0e+00  }
0x105: {  	s19 =	sadd.f32 s31, s19  }
0x106: {  	s20 =	simm.s32 $0x0;
	s21 =	simm.f32 $0.0e+00  }
.LBB2_16:
0x107: {  	v3 =	vld [tilespmem:$0x1FFF0];
	_ =	sdelay $0x6  }
0x108: {  	s24 =	sshll.u32 s20, $0x3  }
0x109: {  	v0 =	vld.idx.msk [tilespmem:v3+s24+$0x12000 ss:$0x1], $0xffff  }
0x10a: {  	v1 =	vld.idx.msk [tilespmem:v3+s24+$0x14000 ss:$0x1], $0xffff  }
0x10b: {  	v2 =	vld.idx.msk [tilespmem:v3+s24+$0x16000 ss:$0x1], $0xffff;
	_ =	sdelay $0x3  }
0x10c: {  	v0 =	vmul.f32 $-2.000000000e+00, v0  }
0x10d: {  	v23 =	vmul.f32 $-2.000000000e+00, v1;
	v24 =	vmul.f32 $-2.000000000e+00, v2  }
0x10e: {  	v1 =	vbroadcast v0, $0x0  }
0x10f: {  	v63 =	vbroadcast v23, $0x0;
	v4 =	vbroadcast v24, $0x0  }
0x110: {  	v5 =	vbroadcast v0, $0x1;
	v6 =	vbroadcast v23, $0x1  }
0x111: {  	v7 =	vbroadcast v24, $0x1;
	v8 =	vbroadcast v0, $0x2  }
0x112: {  	v9 =	vbroadcast v23, $0x2;
	v10 =	vbroadcast v24, $0x2  }
0x113: {  	v11 =	vbroadcast v0, $0x3;
	v12 =	vbroadcast v23, $0x3  }
0x114: {  	s23 =	simm.s32 $0xE010;
	v58 =	vbroadcast v24, $0x3;
	v13 =	vbroadcast v0, $0x4  }
0x115: {  	v26 =	vld [tilespmem:s23+$0x0];
	v14 =	vbroadcast v23, $0x4;
	v15 =	vbroadcast v24, $0x4  }
0x116: {  	v16 =	vbroadcast v0, $0x5;
	v17 =	vbroadcast v23, $0x5  }
0x117: {  	s22 =	simm.s32 $0x10010;
	v27 =	vld [tilespmem:s23+$0xFFFFFFF0];
	v18 =	vbroadcast v24, $0x5;
	v19 =	vbroadcast v0, $0x6  }
0x118: {  	v32 =	vld [tilespmem:s22+$0xFFFFFFF0];
	v20 =	vbroadcast v23, $0x6;
	v21 =	vbroadcast v24, $0x6  }
0x119: {  	v22 =	vbroadcast v0, $0x7;
	v23 =	vbroadcast v23, $0x7  }
0x11a: {  	v24 =	vbroadcast v24, $0x7;
	v0 =	vmul.f32 v26, v9  }
0x11b: {  	v29 =	vmul.f32 v26, v12;
	v33 =	vmul.f32 v26, v63  }
0x11c: {  	s25 =	simm.s32 $0xC010;
	v34 =	vmul.f32 v26, v14;
	v35 =	vmul.f32 v27, v6  }
0x11d: {  	v37 =	vld [tilespmem:s25+$0x0];
	v28 =	vmul.f32 v32, v10;
	v30 =	vmul.f32 v27, v9  }
0x11e: {  	v38 =	vmul.f32 v26, v20;
	v31 =	vmul.f32 v32, v58  }
0x11f: {  	v36 =	vmul.f32 v26, v17;
	v39 =	vmul.f32 v27, v12  }
0x120: {  	v40 =	vmul.f32 v26, v6;
	v42 =	vmul.f32 v27, v14  }
0x121: {  	v44 =	vmul.f32 v27, v23;
	v45 =	vmul.f32 v32, v24  }
0x122: {  	[tilespmem:$0x1FE30] =	vst v9;
	v46 =	vmul.f32 v37, v8;
	v47 =	vmul.f32 v32, v15  }
0x123: {  	v9 =	vmul.f32 v27, v17;
	v48 =	vmul.f32 v27, v20;
	v41 =	vld [tilespmem:s22+$0x0]  }
0x124: {  	s23 =	simm.s32 $0x18010;
	v52 =	vmul.f32 v27, v63;
	v60 =	vmul.f32 v32, v4;
	[tilespmem:$0x1FE40] =	vst v12  }
0x125: {  	v25 =	vimm.f32 $3.000000010e+38;
	v61 =	vmul.f32 v32, v21;
	v62 =	vmul.f32 v32, v18;
	v43 =	vld [tilespmem:s23+$0x0]  }
0x126: {  	v26 =	vmul.f32 v26, v23;
	v32 =	vmul.f32 v32, v7;
	[tilespmem:$0x1FE50] =	vst v6;
	v51 =	vadd.f32 v31, v39  }
0x127: {  	v30 =	vadd.f32 v28, v30;
	v6 =	vmul.f32 v37, v11;
	v50 =	vld [tilespmem:s25+$0xFFFFFFF0];
	[tilespmem:$0x1FE60] =	vst v63;
	v63 =	vmul.f32 v37, v13  }
0x128: {  	v47 =	vadd.f32 v47, v42;
	v49 =	vmul.f32 v41, v18;
	v31 =	vmul.f32 v41, v7  }
0x129: {  	v42 =	vadd.f32 v60, v52;
	v53 =	vmul.f32 v41, v15;
	v56 =	vmul.f32 v41, v21  }
0x12a: {  	v27 =	vld [tilespmem:s23+$0xFFFFFFF0];
	v57 =	vmul.f32 v41, v24;
	v28 =	vadd.f32 v43, v46;
	v39 =	vadd.f32 v43, v6  }
0x12b: {  	v60 =	vmul.f32 v41, v58;
	v55 =	vadd.f32 v31, v40;
	v31 =	vadd.f32 v45, v44  }
0x12c: {  	v54 =	vmul.f32 v50, v16;
	v49 =	vadd.f32 v49, v36;
	v36 =	vadd.f32 v61, v48  }
0x12d: {  	v2 =	vmul.f32 v50, v13;
	v44 =	vadd.f32 v62, v9;
	v40 =	vadd.f32 v43, v63  }
0x12e: {  	v34 =	vadd.f32 v53, v34;
	v9 =	vmul.f32 v37, v19;
	v61 =	vmul.f32 v37, v5  }
0x12f: {  	v62 =	vmul.f32 v37, v1;
	v59 =	vadd.f32 v27, v54;
	v45 =	vadd.f32 v27, v2  }
0x130: {  	v6 =	vmul.f32 v50, v19;
	v34 =	vadd.f32 v34, v40;
	v40 =	vadd.f32 v43, v9  }
0x131: {  	[tilespmem:$0x1FE80] =	vst v58;
	v58 =	vmul.f32 v50, v5;
	v63 =	vadd.f32 v43, v62;
	v53 =	vadd.f32 v44, v59  }
0x132: {  	v47 =	vadd.f32 v47, v45;
	v45 =	vadd.f32 v60, v29;
	v29 =	vmul.f32 v37, v22  }
0x133: {  	v37 =	vmul.f32 v37, v16;
	v44 =	vadd.f32 v43, v61;
	v59 =	vmul.f32 v50, v22  }
0x134: {  	[tilespmem:$0x1FE70] =	vst v13;
	v46 =	vadd.f32 v43, v29;
	v29 =	vmul.f32 v41, v10;
	v41 =	vmul.f32 v41, v4  }
0x135: {  	[tilespmem:$0x1FE90] =	vst v10;
	v60 =	vmul.f32 v50, v11;
	v37 =	vadd.f32 v43, v37;
	v44 =	vadd.f32 v55, v44  }
0x136: {  	[tilespmem:$0x1FEA0] =	vst v4;
	v9 =	vmin.f32 v25, v47;
	v43 =	vadd.f32 v27, v6;
	v33 =	vadd.f32 v41, v33  }
0x137: {  	[tilespmem:$0x1FEB0] =	vst v1;
	v10 =	vmul.f32 v50, v1;
	v48 =	vadd.f32 v27, v59;
	v61 =	vadd.f32 v27, v60  }
0x138: {  	v55 =	vadd.f32 v32, v35;
	v62 =	vmin.f32 v25, v53;
	v53 =	vadd.f32 v33, v63;
	v63 =	vld.idx.msk [tilespmem:v3+s24+$0x1A000 ss:$0x1], $0xffff  }
0x139: {  	[tilespmem:$0x1FEC0] =	vst v5;
	v50 =	vmul.f32 v50, v8;
	v47 =	vadd.f32 v29, v0;
	v37 =	vadd.f32 v49, v37  }
0x13a: {  	[tilespmem:$0x1FED0] =	vst v11;
	v35 =	vimm.f32 $3.000000010e+38;
	v49 =	vadd.f32 v27, v58;
	v52 =	vadd.f32 v27, v10  }
0x13b: {  	[tilespmem:$0x1FEE0] =	vst v7;
	v29 =	vmin.f32 v9, v34;
	v41 =	vadd.f32 v56, v38;
	v54 =	vadd.f32 v51, v61  }
0x13c: {  	[tilespmem:$0x1FEF0] =	vst v8;
	v51 =	vadd.f32 v57, v26;
	v34 =	vimm.f32 $3.000000010e+38;
	v38 =	vimm.f32 $3.000000010e+38  }
0x13d: {  	s26 =	simm.s32 $0xC030;
	s25 =	simm.s32 $0xE030;
	v32 =	vmin.f32 v62, v37;
	v37 =	vimm.f32 $3.000000010e+38;
	s24 =	simm.s32 $0x0;
	v33 =	vimm.f32 $3.000000010e+38;
	[tilespmem:$0x1FF00] =	vst v63  }
.LBB2_17:
0x13e: {  	v0 =	vld [tilespmem:s25+$0x0]  }
0x13f: {  	v3 =	vld [tilespmem:$0x1FE30]  }
0x140: {  	v4 =	vld [tilespmem:$0x1FE40]  }
0x141: {  	v1 =	vld [tilespmem:$0x1FE60]  }
0x142: {  	v27 =	vadd.f32 v27, v50;
	v2 =	vld [tilespmem:$0x1FE50]  }
0x143: {  	v39 =	vadd.f32 v45, v39;
	v8 =	vld [tilespmem:$0x1FE90];
	v42 =	vadd.f32 v42, v52  }
0x144: {  	v50 =	vld [tilespmem:s26+$0x0];
	v40 =	vadd.f32 v41, v40;
	v46 =	vadd.f32 v51, v46  }
0x145: {  	v11 =	vld [tilespmem:$0x1FEF0];
	v62 =	vadd.f32 v55, v49;
	v28 =	vadd.f32 v47, v28  }
0x146: {  	s22 =	sadd.s32 $0x20, s22;
	v52 =	vld [tilespmem:s25+$0xFFFFFFF0];
	v25 =	vmin.f32 v25, v54;
	v27 =	vadd.f32 v30, v27;
	v30 =	vadd.f32 v36, v43  }
0x147: {  	v41 =	vld [tilespmem:s22+$0xFFFFFFF0];
	v34 =	vmin.f32 v34, v42;
	v63 =	vmin.f32 v37, v62;
	v51 =	vmul.f32 v0, v3  }
0x148: {  	v13 =	vld [tilespmem:$0x1FE80];
	v34 =	vmin.f32 v34, v53;
	v45 =	vmul.f32 v0, v4;
	v53 =	vmul.f32 v0, v1  }
0x149: {  	v38 =	vmin.f32 v38, v27;
	v43 =	vmul.f32 v0, v14;
	v55 =	vmul.f32 v0, v20  }
0x14a: {  	v37 =	vmin.f32 v63, v44;
	v44 =	vmul.f32 v0, v17;
	v57 =	vmul.f32 v0, v2  }
0x14b: {  	v38 =	vmin.f32 v38, v28;
	v28 =	vmul.f32 v50, v11;
	v0 =	vmul.f32 v0, v23  }
0x14c: {  	v47 =	vld [tilespmem:s22+$0x0];
	v25 =	vmin.f32 v25, v39;
	v54 =	vmul.f32 v52, v2;
	v39 =	vmul.f32 v41, v8  }
0x14d: {  	v9 =	vld [tilespmem:$0x1FEA0];
	v31 =	vadd.f32 v31, v48;
	v3 =	vmul.f32 v52, v3;
	v5 =	vmul.f32 v41, v13  }
0x14e: {  	s23 =	sadd.s32 $0x20, s23;
	v48 =	vld [tilespmem:s26+$0xFFFFFFF0];
	v6 =	vmul.f32 v52, v4;
	v7 =	vmul.f32 v52, v14  }
0x14f: {  	v56 =	vld [tilespmem:s23+$0x0];
	v31 =	vmin.f32 v33, v31;
	v58 =	vmul.f32 v52, v23;
	v59 =	vmul.f32 v41, v24  }
0x150: {  	v10 =	vld [tilespmem:$0x1FEE0];
	v33 =	vmin.f32 v31, v46;
	v31 =	vmul.f32 v41, v15;
	v46 =	vmul.f32 v52, v17  }
0x151: {  	v36 =	vmul.f32 v52, v20;
	v2 =	vmul.f32 v47, v18  }
0x152: {  	v12 =	vld [tilespmem:$0x1FED0];
	v30 =	vmin.f32 v35, v30;
	v42 =	vmul.f32 v52, v1;
	v52 =	vmul.f32 v41, v9  }
0x153: {  	v35 =	vmin.f32 v30, v40;
	v62 =	vmul.f32 v47, v15;
	v4 =	vmul.f32 v48, v16  }
0x154: {  	v27 =	vld [tilespmem:s23+$0xFFFFFFF0];
	v49 =	vmul.f32 v41, v21;
	v8 =	vmul.f32 v47, v8;
	v28 =	vadd.f32 v56, v28  }
0x155: {  	v60 =	vadd.f32 v5, v6;
	v30 =	vadd.f32 v39, v3;
	v3 =	vmul.f32 v47, v10  }
0x156: {  	v61 =	vadd.f32 v31, v7;
	v31 =	vadd.f32 v59, v58;
	v58 =	vmul.f32 v47, v24  }
0x157: {  	v5 =	vmul.f32 v50, v12;
	v26 =	vadd.f32 v2, v44;
	v44 =	vmul.f32 v50, v19  }
0x158: {  	v6 =	vmul.f32 v41, v18;
	v7 =	vld [tilespmem:$0x1FE70];
	v36 =	vadd.f32 v49, v36;
	v42 =	vadd.f32 v52, v42  }
0x159: {  	v49 =	vmul.f32 v48, v19;
	v1 =	vadd.f32 v27, v4;
	v4 =	vld [tilespmem:$0x1FEB0];
	v57 =	vadd.f32 v3, v57  }
0x15a: {  	v39 =	vadd.f32 v56, v5;
	v3 =	vmul.f32 v50, v16;
	v2 =	vadd.f32 v6, v46;
	v5 =	vld [tilespmem:$0x1FEC0]  }
0x15b: {  	v62 =	vadd.f32 v62, v43;
	v40 =	vadd.f32 v56, v44;
	v6 =	vmul.f32 v48, v22  }
0x15c: {  	v1 =	vadd.f32 v2, v1;
	v2 =	vmul.f32 v47, v13;
	v3 =	vadd.f32 v56, v3  }
0x15d: {  	v43 =	vadd.f32 v27, v49;
	v59 =	vmul.f32 v50, v7;
	v44 =	vmul.f32 v48, v7  }
0x15e: {  	v46 =	vmul.f32 v50, v4;
	v45 =	vadd.f32 v2, v45;
	v3 =	vadd.f32 v26, v3  }
0x15f: {  	v52 =	vmul.f32 v50, v5;
	v59 =	vadd.f32 v56, v59;
	v5 =	vmul.f32 v48, v5  }
0x160: {  	v4 =	vmul.f32 v48, v4;
	v44 =	vadd.f32 v27, v44;
	v7 =	vadd.f32 v56, v46  }
0x161: {  	v59 =	vadd.f32 v62, v59;
	v49 =	vadd.f32 v27, v5;
	v5 =	vmul.f32 v47, v9  }
0x162: {  	v62 =	vadd.f32 v56, v52;
	v9 =	vmul.f32 v50, v22;
	v50 =	vmul.f32 v48, v11  }
0x163: {  	s24 =	sadd.s32 $0x20, s24;
	v44 =	vadd.f32 v61, v44;
	v11 =	vmul.f32 v48, v12;
	v48 =	vadd.f32 v27, v6  }
0x164: {  	p0 =	slt.u32 s24, $0x1FE0;
	v63 =	vmul.f32 v47, v21;
	v52 =	vadd.f32 v27, v4;
	v47 =	vadd.f32 v8, v51  }
.Ltmp7:
0x165: {  	v51 =	vadd.f32 v58, v0;
	v46 =	vadd.f32 v56, v9;
	(pc) =	sbr.rel @p0 .LBB2_17-.Ltmp7, $4  }
0x166: {  	v61 =	vmin.f32 v29, v44;
	v44 =	vadd.f32 v57, v62;
	v62 =	vmul.f32 v41, v10  }
0x167: {  	v1 =	vmin.f32 v32, v1;
	v2 =	vadd.f32 v27, v11;
	v5 =	vadd.f32 v5, v53  }
0x168: {  	v32 =	vmin.f32 v1, v3;
	v41 =	vadd.f32 v63, v55;
	v55 =	vadd.f32 v62, v54  }
0x169: {  	s25 =	sadd.s32 $0x20, s25;
	s26 =	sadd.s32 $0x20, s26;
	v29 =	vmin.f32 v61, v59;
	v53 =	vadd.f32 v5, v7;
	v54 =	vadd.f32 v60, v2  }
0x16a: {  	v0 =	vadd.f32 v42, v52;
	_ =	sdelay $0x1  }
0x16b: {  	v1 =	vadd.f32 v55, v49;
	v0 =	vmin.f32 v34, v0  }
0x16c: {  	v2 =	vadd.f32 v27, v50;
	v0 =	vmin.f32 v0, v53  }
0x16d: {  	v1 =	vmin.f32 v37, v1;
	(xrf1) =	vsort.ascd.msk.f32 $0xffff, v0, v0  }
0x16e: {  	v42 =	vadd.f32 v30, v2;
	v1 =	vmin.f32 v1, v44  }
0x16f: {  	v44 =	vadd.f32 v47, v28;
	(xrf1) =	vsort.ascd.msk.f32 $0xffff, v1, v1  }
0x170: {  	v0 =	vmin.f32 v38, v42  }
0x171: {  	v45 =	vadd.f32 v45, v39;
	v0 =	vmin.f32 v0, v44  }
0x172: {  	v47 =	vmin.f32 v25, v54;
	(xrf1) =	vsort.ascd.msk.f32 $0xffff, v0, v0  }
0x173: {  	v49 =	vmin.f32 v47, v45  }
0x174: {  	(xrf1) =	vsort.ascd.msk.f32 $0xffff, v49, v49;
	_ =	sdelay $0x2  }
0x175: {  	(xrf1) =	vsort.ascd.msk.f32 $0xffff, v29, v29  }
0x176: {  	v56 =	vld [tilespmem:$0x1FF00]  }
0x177: {  	v50 =	vadd.f32 v36, v43;
	(xrf1) =	vsort.ascd.msk.f32 $0xffff, v32, v32  }
0x178: {  	v52 =	vadd.f32 v41, v40  }
0x179: {  	v53 =	vadd.f32 v31, v48;
	v0 =	vmin.f32 v35, v50;
	v54, _, _ =	vpop (xrf1)  }
0x17a: {  	v3 =	vadd.f32 v51, v46;
	v0 =	vmin.f32 v0, v52;
	(v2sf) =	vpush v54, $0x0  }
0x17b: {  	v55 =	vmin.f32 v33, v53;
	(xrf1) =	vsort.ascd.msk.f32 $0xffff, v0, v0;
	v57, _, _ =	vpop (xrf1);
	(v2sf) =	vpush v56, $0x0  }
0x17c: {  	v0 =	vmin.f32 v55, v3;
	(v2sf) =	vpush v57, $0x0  }
0x17d: {  	(xrf1) =	vsort.ascd.msk.f32 $0xffff, v0, v0;
	(v2sf) =	vpush v56, $0x1  }
0x17e: {  	v58, _, _ =	vpop (xrf1)  }
0x17f: {  	(v2sf) =	vpush v58, $0x0  }
0x180: {  	v59, _, _ =	vpop (xrf1);
	(v2sf) =	vpush v56, $0x2  }
0x181: {  	(v2sf) =	vpush v59, $0x0  }
0x182: {  	(v2sf) =	vpush v56, $0x3  }
0x183: {  	v60, _, _ =	vpop (xrf1)  }
0x184: {  	(v2sf) =	vpush v60, $0x0  }
0x185: {  	v61, _, _ =	vpop (xrf1);
	(v2sf) =	vpush v56, $0x4  }
0x186: {  	(v2sf) =	vpush v61, $0x0  }
0x187: {  	(v2sf) =	vpush v56, $0x5;
	_ =	sdelay $0x1  }
0x188: {  	v62, _, _ =	vpop (xrf1);
	s22 =	spop (v2sf)  }
0x189: {  	(v2sf) =	vpush v62, $0x0;
	s23 =	spop (v2sf)  }
0x18a: {  	v63, _, _ =	vpop (xrf1);
	(v2sf) =	vpush v56, $0x6;
	s22 =	sadd.f32 s22, s23;
	s30 =	spop (v2sf)  }
0x18b: {  	(v2sf) =	vpush v63, $0x0;
	s24 =	spop (v2sf)  }
0x18c: {  	(v2sf) =	vpush v56, $0x7;
	s22 =	smax.f32 s22, $0.0e+00;
	s23 =	sadd.f32 s30, s24  }
0x18d: {  	s31 =	spop (v2sf);
	s21 =	sadd.f32 s22, s21  }
0x18e: {  	s25 =	spop (v2sf);
	s23 =	smax.f32 s23, $0.0e+00  }
0x18f: {  	s26 =	spop (v2sf);
	s22 =	sadd.f32 s31, s25  }
0x190: {  	s21 =	sadd.f32 s23, s21;
	s28 =	spop (v2sf)  }
0x191: {  	s23 =	sadd.f32 s26, s28;
	s22 =	smax.f32 s22, $0.0e+00  }
0x192: {  	s29 =	spop (v2sf);
	s21 =	sadd.f32 s22, s21  }
0x193: {  	s30 =	spop (v2sf);
	s23 =	smax.f32 s23, $0.0e+00  }
0x194: {  	s22 =	sadd.f32 s29, s30;
	s31 =	spop (v2sf)  }
0x195: {  	s21 =	sadd.f32 s23, s21;
	s25 =	spop (v2sf)  }
0x196: {  	s22 =	smax.f32 s22, $0.0e+00;
	s23 =	sadd.f32 s31, s25  }
0x197: {  	s21 =	sadd.f32 s22, s21  }
0x198: {  	s23 =	smax.f32 s23, $0.0e+00;
	s26 =	spop (v2sf)  }
0x199: {  	s20 =	sadd.s32 $0x1, s20;
	s21 =	sadd.f32 s23, s21;
	s28 =	spop (v2sf)  }
0x19a: {  	p0 =	sne.s32 s20, $0x20;
	s22 =	sadd.f32 s26, s28;
	s29 =	spop (v2sf)  }
.Ltmp8:
0x19b: {  	s30 =	spop (v2sf);
	(pc) =	sbr.rel @p0 .LBB2_16-.Ltmp8, $4  }
0x19c: {  	s23 =	sadd.f32 s29, s30;
	s22 =	smax.f32 s22, $0.0e+00  }
0x19d: {  	s21 =	sadd.f32 s22, s21  }
0x19e: {  	s31 =	smax.f32 s23, $0.0e+00  }
0x19f: {  	s21 =	sadd.f32 s31, s21  }
0x1a0: {  	_ = 	snop  }
0x1a1: {  	s19 =	sadd.f32 s21, s19;
	_ =	sdelay $0x1  }
0x1a2: {  	s19 =	smul.f32 $6.250000000e-02, s19;
	_ =	sdelay $0x1  }
0x1a3: {  	s18 =	sadd.s32 $0x1, s18;
	v0 =	vmov s19  }
0x1a4: {  	p0 =	sne.s32 s18, s10;
	[tilespmem:$0x1C000] =	vst v0  }
0x1a5: {  	[hbm4b:s9+s1] =	stream.linear.scatter [tilespmem:s17], [sflag:$0x1], $0x10, $0x38;
	[tilespmem:$0x1C080] =	vst v63  }
.Ltmp9:
0x1a6: {  	_ = 	snop;
	(pc) =	sbr.rel @p0 .LBB2_1-.Ltmp9, $4  }
.Ltmp10:
0x1a7: {  	_ = 	snop;
	(pc) =	sbr.rel @!p0 .LBB2_20-.Ltmp10, $4  }
0x1a8: {  	_ =	swait.ge [sflag:s11], $0x10  }
0x1a9: {  	[sflag:s11] =	ssyncset.done $0x0  }
0x1aa: {  	[sflag:s11] =	ssyncadd.s32 $0xFFFFFFF0  }
0x1ab: {  	_ = 	snop  }
.LBB2_4:
.Ltmp11:
0x1ac: {  	(pc) =	sbr.rel .LBB2_11-.Ltmp11, $2  }
0x1ad: {  	_ =	sdelay $0x2  }
0x1ae: {  	s21 =	simm.s32 $0x0  }
.LBB2_6:
.Ltmp12:
0x1af: {  	(pc) =	sbr.rel .LBB2_11-.Ltmp12, $2  }
0x1b0: {  	_ =	sdelay $0x2  }
0x1b1: {  	v11 =	vmov v1;
	s21 =	simm.s32 $0x10;
	v1 =	vmov v2  }
.LBB2_8:
.Ltmp13:
0x1b2: {  	(pc) =	sbr.rel .LBB2_11-.Ltmp13, $2  }
0x1b3: {  	_ =	sdelay $0x2  }
0x1b4: {  	v7 =	vmov v3;
	s23 =	simm.s32 $0x0;
	s19 =	simm.s32 $0x10;
	v11 =	vmov v2;
	v3 =	vmov v8  }
.LBB2_20:
0x1b5: {  	_ =	sfence.sel $0x180000  }
0x1b6: {  	[bflag:$0x0] =	sbarrier.arrive $0xFFFF  }
0x1b7: {  	p0 =	sne.s32 s2, $0x0;
	_ =	strace $0x90000047  }
0x1b8: {  	s0 =	sadd.s32 @!p0 $0x100000, s0;
	[bflag:$0x2] =	sbarrier.arrive $0xFFFF  }
0x1b9: {  	[sflag:s0] =	ssyncadd.tile.s32 @!p0 $0x1;
	_ =	shalt  }
.Lfunc_end2:
_tile_overlayer_lowered:
.L_overlay_start_2:
0x1ba: {  	(tag) =	ssettag $0x2  }
0x1bb: {  	s0 =	rddreg [dreg:$0x0];
	s2 =	stileid.u32  }
0x1bc: {  	s1 =	rddreg [dreg:$0x1];
	p0 =	sne.s32 s2, $0x0  }
0x1bd: {  	s3 =	rddreg [dreg:$0x2];
	[bflag:$0x3] =	sbarrier.arrive $0xFFFF;
	s2 =	simm.s32 @!p0 $0x1C01  }
0x1be: {  	[timem:s3], [sflag:s2] =	dma.local @!p0 [hbm:s0], s1  }
0x1bf: {  	s0 =	simm.s32 @!p0 $0x1  }
0x1c0: {  	_ =	swait.ge @!p0 [sflag:s0], s1  }
0x1c1: {  	s1 =	ssub.s32 @!p0 $0x0, s1;
	[sflag:s0] =	ssyncset.done @!p0 $0x0  }
0x1c2: {  	[sflag:s0] =	ssyncadd.s32 @!p0 s1  }
0x1c3: {  	[bflag:$0x3] =	sbarrier.arrive $0xFFFF  }
0x1c4: {  	_ =	shalt  }

</sc_bundles>
